<compile_context>
chip_gen: v7x
topology: tpu7x:2x2x1
jax: 0.10.2.dev20260603
libtpu: 0.0.44.dev20260713+nightly
codegen_flags: <defaults>
</compile_context>

<pallas_src>
import functools

import jax
import jax.numpy as jnp
from jax import lax
from jax.experimental import pallas as pl
from jax.experimental.pallas import tpu as pltpu
from jax.experimental.pallas import tpu_sc as plsc

_B = 4096
_F = 26
_D = 16
_N = _B * _F
_NW = 32
_CHUNK = _N // _NW
_V = 1000000
_TAU = 0.1
_SIG_HALF = 1.0 / (1.0 + 2.718281828459045 ** (-0.5))

_S = 65536
_C = _S // 8
_LC = _C.bit_length() - 1
_GRID = (_V + _S - 1) // _S
_VP = _GRID * _S


def _tr_body(wt_ref, sm_ref, out_ref):
    j = pl.program_id(0)
    col0 = j * _S
    sm = sm_ref[...]
    scale = jnp.float32(1.0 / _SIG_HALF) / (
        1.0 + jnp.exp(sm * jnp.float32(-1.0 / _TAU)))
    w = wt_ref[...] * scale
    gcol = col0 + lax.broadcasted_iota(jnp.int32, (1, _S), 1)
    w = jnp.where(gcol < _V, w, 0.0)
    lhs = jnp.concatenate([w[:, k * _C:(k + 1) * _C] for k in range(8)],
                          axis=0)
    out_ref[...] = lax.dot_general(
        lhs, jnp.eye(128, dtype=jnp.float32), (((0,), (0,)), ((), ())),
        preferred_element_type=jnp.float32)


def _permute_tc(wt, smt):
    out = pl.pallas_call(
        _tr_body,
        grid=(_GRID,),
        in_specs=[pl.BlockSpec((_D, _S), lambda j: (0, j)),
                  pl.BlockSpec((1, _S), lambda j: (0, j))],
        out_specs=pl.BlockSpec((_S // 8, 128), lambda j: (j, 0)),
        out_shape=jax.ShapeDtypeStruct((_VP * _D // 128, 128), jnp.float32),
    )(wt, smt)
    return out.reshape(_VP, _D)


_NPH = 4
_H = _CHUNK // _NPH
_LH = 128 // _NPH


def _sc_body(x_hbm, w_hbm, out_hbm, idx_v, idxp, rows, p5_v, sems):
    wid = lax.axis_index("s") * 2 + lax.axis_index("c")
    base = wid * _CHUNK
    pltpu.sync_copy(x_hbm.at[pl.ds(base, _CHUNK)], idx_v)

    def perm_phase(off, dst):
        @plsc.parallel_loop(0, _H // 16, unroll=4)
        def body(g):
            i = idx_v[pl.ds(off + g * 16, 16)]
            p = (i & ~(_S - 1)) | ((i & (_C - 1)) << 3) | ((i >> _LC) & 7)
            dst[pl.ds(g * 16, 16)] = p

    copies = []
    for ph in range(_NPH):
        perm_phase(ph * _H, idxp[ph])
        copies.append(pltpu.async_copy(w_hbm.at[idxp[ph]], rows[ph],
                                       sems[ph]))

    d_iota = lax.broadcasted_iota(jnp.int32, (16,), 0)
    ts_vec = d_iota >> 3
    s_vec = d_iota & 7
    zero_vec = jnp.zeros((16,), jnp.int32)
    one_vec = jnp.ones((16,), jnp.int32)

    def transpose_phase(rows_ref, l0):
        l0_vec = jnp.full((16,), l0, jnp.int32)

        def f_body(f, f_vec):
            @plsc.parallel_loop(0, _LH, unroll=8)
            def l_body(l):
                vals = rows_ref[l * _F + f, :]
                l_vec = l0_vec + l
                plsc.store_scatter(
                    p5_v, [f_vec, ts_vec, zero_vec, s_vec, l_vec], vals)

            return f_vec + one_vec

        lax.fori_loop(0, _F, f_body, zero_vec)

    for ph in range(_NPH):
        copies[ph].wait()
        transpose_phase(rows[ph], ph * _LH)
    pltpu.sync_copy(p5_v.at[:, :, :, :, pl.ds(0, 128)],
                    out_hbm.at[:, :, pl.ds(wid, 1)])


def _sc_lookup(x_flat, w_perm):
    mesh = plsc.VectorSubcoreMesh(core_axis_name="c", subcore_axis_name="s")
    return pl.kernel(
        _sc_body,
        out_type=jax.ShapeDtypeStruct((_F, 2, _NW, 8, 128), jnp.float32),
        mesh=mesh,
        scratch_types=[
            pltpu.VMEM((_CHUNK,), jnp.int32),
            [pltpu.VMEM((_H,), jnp.int32) for _ in range(_NPH)],
            [pltpu.VMEM((_H, _D), jnp.float32) for _ in range(_NPH)],
            pltpu.VMEM((_F, 2, 1, 8, 129), jnp.float32),
            [pltpu.SemaphoreType.DMA for _ in range(_NPH)],
        ],
        compiler_params=pltpu.CompilerParams(
            use_tc_tiling_on_sc=False, needs_layout_passes=False),
    )(x_flat, w_perm)


@jax.jit
def _run(x, weight, mask):
    w_perm = _permute_tc(weight.T, mask.T)
    x_flat = x.reshape(-1).astype(jnp.int32)
    out5 = _sc_lookup(x_flat, w_perm)
    out = out5.transpose(2, 4, 0, 1, 3).reshape(_B, _F, _D)
    return out


def kernel(x, weight, mask):
    return _run(x, weight, mask)

# --- scband reference (transcript-rebuilt; emitter-appended) ---
"""Pipeline reference for scband-opt-fs-embedding-73426760892788 (READ-ONLY COPY).

The authoritative reference and input builder live on the scoring server;
editing this copy changes nothing except your own understanding.
"""

import jax, jax.numpy as jnp
import numpy as np

FEATURE_NUM = 1000000
EMB_DIM = 16
BATCH = 4096
N_FIELDS = 26
MASK_INIT = 0.5
TAU = 0.1
EPOCH = 1.0
TOTAL_EPOCH = 1.0


def setup_inputs(seed: int = 0) -> dict:
    key = jax.random.key(seed)
    k1, k2 = jax.random.split(key)
    x = jax.random.randint(k1, (BATCH, N_FIELDS), 0, FEATURE_NUM, dtype=jnp.int64 if jax.config.jax_enable_x64 else jnp.int32)
    # weight initialized per emb_init='normal_0.003'
    weight = jax.random.normal(k2, (FEATURE_NUM, EMB_DIM), dtype=jnp.float32) * 0.003
    # mask initialized to ones * mask_init
    mask = jnp.ones((FEATURE_NUM, 1), dtype=jnp.float32) * MASK_INIT
    return {"x": x, "weight": weight, "mask": mask}


def reference(x, weight, mask):
    # weight lookup: F.embedding(x, self.weight)
    w = jnp.take(weight, x, axis=0)  # [B, F, D]
    # mask lookup: F.embedding(x, self.mask)
    m = jnp.take(mask, x, axis=0)    # [B, F, 1]
    # not retraining branch
    tau = TAU ** (EPOCH / TOTAL_EPOCH)
    m = jax.nn.sigmoid(m / tau)
    m = m / jax.nn.sigmoid(jnp.float32(MASK_INIT))
    return w * m

if __name__ == "__main__":
    import jax
    _d = setup_inputs()
    print(jax.jit(kernel)(*tuple(_d.values())))

</pallas_src>

<mosaic_0001>
#map = affine_map<(d0, d1) -> (0)>
#map1 = affine_map<(d0, d1) -> (0, 0)>
#map2 = affine_map<(d0, d1) -> (0, 0, 0, 0, 0)>
module attributes {stable_mosaic.version = 14 : i64} {
  func.func @_sc_body(%arg0: i32, %arg1: i32, %arg2: memref<106496xi32, #tpu.memory_space<hbm>>, %arg3: memref<1048576x16xf32, #tpu.memory_space<hbm>>, %arg4: memref<26x2x32x8x128xf32, #tpu.memory_space<hbm>>, %arg5: memref<3328xi32, #tpu.memory_space<vmem>>, %arg6: memref<832xi32, #tpu.memory_space<vmem>>, %arg7: memref<832xi32, #tpu.memory_space<vmem>>, %arg8: memref<832xi32, #tpu.memory_space<vmem>>, %arg9: memref<832xi32, #tpu.memory_space<vmem>>, %arg10: memref<832x16xf32, #tpu.memory_space<vmem>>, %arg11: memref<832x16xf32, #tpu.memory_space<vmem>>, %arg12: memref<832x16xf32, #tpu.memory_space<vmem>>, %arg13: memref<832x16xf32, #tpu.memory_space<vmem>>, %arg14: memref<26x2x1x8x129xf32, #tpu.memory_space<vmem>>, %arg15: memref<!tpu.dma_semaphore, #tpu.memory_space<semaphore_mem>>, %arg16: memref<!tpu.dma_semaphore, #tpu.memory_space<semaphore_mem>>, %arg17: memref<!tpu.dma_semaphore, #tpu.memory_space<semaphore_mem>>, %arg18: memref<!tpu.dma_semaphore, #tpu.memory_space<semaphore_mem>>) attributes {dimension_semantics = [#tpu.dimension_semantics<core_parallel>, #tpu.dimension_semantics<subcore_parallel>], iteration_bounds = array<i64: 2, 16>, scalar_prefetch = 0 : i64, scratch_operands = 14 : i64, tpu.core_type = #tpu.core_type<sc_vector_subcore>, window_params = [{transform_indices = #map}, {transform_indices = #map1}, {transform_indices = #map2}]} {
    %mul3A = arith.constant 2 : i32
    %mul3A_0 = arith.muli %arg1, %mul3A : i32
    %add3A = arith.addi %mul3A_0, %arg0 : i32
    %mul3A_1 = arith.constant 3328 : i32
    %mul3A_2 = arith.muli %add3A, %mul3A_1 : i32
    "tpu.region"() ({
      %run_scoped3A = tpu.sem_alloc : memref<!tpu.dma_semaphore, #tpu.memory_space<semaphore_mem>>
      %dma_start3A_74 = tpu.memref_slice %arg2[%mul3A_2] : memref<106496xi32, #tpu.memory_space<hbm>> -> memref<3328xi32, #tpu.memory_space<hbm>>
      %dma_start3A_75 = tpu.memref_slice %arg2[%mul3A_2] : memref<106496xi32, #tpu.memory_space<hbm>> -> memref<3328xi32, #tpu.memory_space<hbm>>
      tpu.enqueue_dma source(%dma_start3A_75 : memref<3328xi32, #tpu.memory_space<hbm>>) target(%arg5 : memref<3328xi32, #tpu.memory_space<vmem>>) target_semaphore(%run_scoped3A : memref<!tpu.dma_semaphore, #tpu.memory_space<semaphore_mem>>)
      %dma_wait3A_76 = tpu.memref_slice %arg2[%mul3A_2] : memref<106496xi32, #tpu.memory_space<hbm>> -> memref<3328xi32, #tpu.memory_space<hbm>>
      %dma_wait3A_77 = tpu.memref_slice %arg2[%mul3A_2] : memref<106496xi32, #tpu.memory_space<hbm>> -> memref<3328xi32, #tpu.memory_space<hbm>>
      tpu.wait_dma2 semaphore(%run_scoped3A : memref<!tpu.dma_semaphore, #tpu.memory_space<semaphore_mem>>) src(%dma_wait3A_77 : memref<3328xi32, #tpu.memory_space<hbm>>) dst(%arg5 : memref<3328xi32, #tpu.memory_space<vmem>>)
      tpu.yield
    }) : () -> ()
    %parallel_loop3A = arith.constant 0 : i32
    %parallel_loop3A_3 = arith.constant 52 : i32
    %parallel_loop3A_4 = arith.constant 1 : i32
    scf.for %parallel_loop3A_74 = %parallel_loop3A to %parallel_loop3A_3 step %parallel_loop3A_4  : i32 {
      %parallel_loop3A_75 = arith.constant 16 : i32
      %parallel_loop3A_76 = arith.muli %parallel_loop3A_74, %parallel_loop3A_75 : i32
      %parallel_loop3A_77 = arith.constant 0 : i32
      %parallel_loop3A_78 = arith.addi %parallel_loop3A_77, %parallel_loop3A_76 : i32
      %parallel_loop3A_79 = arith.index_cast %parallel_loop3A_78 : i32 to index
      %parallel_loop3A_80 = tpu.vector_load %arg5[%parallel_loop3A_79] {strides = array<i32>} : memref<3328xi32, #tpu.memory_space<vmem>>, vector<16xi32>,
      %parallel_loop3A_81 = arith.constant -65536 : i32
      %parallel_loop3A_82 = vector.broadcast %parallel_loop3A_81 : i32 to vector<16xi32>
      %parallel_loop3A_83 = arith.andi %parallel_loop3A_80, %parallel_loop3A_82 : vector<16xi32>
      %parallel_loop3A_84 = arith.constant 8191 : i32
      %parallel_loop3A_85 = vector.broadcast %parallel_loop3A_84 : i32 to vector<16xi32>
      %parallel_loop3A_86 = arith.andi %parallel_loop3A_80, %parallel_loop3A_85 : vector<16xi32>
      %parallel_loop3A_87 = arith.constant 3 : i32
      %parallel_loop3A_88 = vector.broadcast %parallel_loop3A_87 : i32 to vector<16xi32>
      %parallel_loop3A_89 = arith.shli %parallel_loop3A_86, %parallel_loop3A_88 : vector<16xi32>
      %parallel_loop3A_90 = arith.ori %parallel_loop3A_83, %parallel_loop3A_89 : vector<16xi32>
      %parallel_loop3A_91 = arith.constant 13 : i32
      %parallel_loop3A_92 = vector.broadcast %parallel_loop3A_91 : i32 to vector<16xi32>
      %parallel_loop3A_93 = arith.shrsi %parallel_loop3A_80, %parallel_loop3A_92 : vector<16xi32>
      %parallel_loop3A_94 = arith.constant 7 : i32
      %parallel_loop3A_95 = vector.broadcast %parallel_loop3A_94 : i32 to vector<16xi32>
      %parallel_loop3A_96 = arith.andi %parallel_loop3A_93, %parallel_loop3A_95 : vector<16xi32>
      %parallel_loop3A_97 = arith.ori %parallel_loop3A_90, %parallel_loop3A_96 : vector<16xi32>
      %parallel_loop3A_98 = arith.constant 16 : i32
      %parallel_loop3A_99 = arith.muli %parallel_loop3A_74, %parallel_loop3A_98 : i32
      %parallel_loop3A_100 = arith.index_cast %parallel_loop3A_99 : i32 to index
      %parallel_loop3A_101 = tpu.vector_load %arg6[%parallel_loop3A_100] {strides = array<i32>} : memref<832xi32, #tpu.memory_space<vmem>>, vector<16xi32>,
      tpu.vector_store %arg6[%parallel_loop3A_100], %parallel_loop3A_97 {strides = array<i32>} : memref<832xi32, #tpu.memory_space<vmem>>, vector<16xi32>,
    } {sc.loop_unroll_factor = 4 : i64, sc.parallel_access}
    %dma_start3A = arith.constant 0 : i32
    %dma_start3A_5 = arith.constant 0 : i32
    %dma_start3A_6 = tpu.memref_slice %arg3[%dma_start3A, %dma_start3A_5] : memref<1048576x16xf32, #tpu.memory_space<hbm>> -> memref<1048576x16xf32, #tpu.memory_space<hbm>>
    tpu.enqueue_indirect_dma source(%dma_start3A_6 : memref<1048576x16xf32, #tpu.memory_space<hbm>>) target(%arg10 : memref<832x16xf32, #tpu.memory_space<vmem>>) offsets(%arg6 : memref<832xi32, #tpu.memory_space<vmem>>) semaphore(%arg15 : memref<!tpu.dma_semaphore, #tpu.memory_space<semaphore_mem>>)
    %parallel_loop3A_7 = arith.constant 0 : i32
    %parallel_loop3A_8 = arith.constant 52 : i32
    %parallel_loop3A_9 = arith.constant 1 : i32
    scf.for %parallel_loop3A_74 = %parallel_loop3A_7 to %parallel_loop3A_8 step %parallel_loop3A_9  : i32 {
      %parallel_loop3A_75 = arith.constant 16 : i32
      %parallel_loop3A_76 = arith.muli %parallel_loop3A_74, %parallel_loop3A_75 : i32
      %parallel_loop3A_77 = arith.constant 832 : i32
      %parallel_loop3A_78 = arith.addi %parallel_loop3A_77, %parallel_loop3A_76 : i32
      %parallel_loop3A_79 = arith.index_cast %parallel_loop3A_78 : i32 to index
      %parallel_loop3A_80 = tpu.vector_load %arg5[%parallel_loop3A_79] {strides = array<i32>} : memref<3328xi32, #tpu.memory_space<vmem>>, vector<16xi32>,
      %parallel_loop3A_81 = arith.constant -65536 : i32
      %parallel_loop3A_82 = vector.broadcast %parallel_loop3A_81 : i32 to vector<16xi32>
      %parallel_loop3A_83 = arith.andi %parallel_loop3A_80, %parallel_loop3A_82 : vector<16xi32>
      %parallel_loop3A_84 = arith.constant 8191 : i32
      %parallel_loop3A_85 = vector.broadcast %parallel_loop3A_84 : i32 to vector<16xi32>
      %parallel_loop3A_86 = arith.andi %parallel_loop3A_80, %parallel_loop3A_85 : vector<16xi32>
      %parallel_loop3A_87 = arith.constant 3 : i32
      %parallel_loop3A_88 = vector.broadcast %parallel_loop3A_87 : i32 to vector<16xi32>
      %parallel_loop3A_89 = arith.shli %parallel_loop3A_86, %parallel_loop3A_88 : vector<16xi32>
      %parallel_loop3A_90 = arith.ori %parallel_loop3A_83, %parallel_loop3A_89 : vector<16xi32>
      %parallel_loop3A_91 = arith.constant 13 : i32
      %parallel_loop3A_92 = vector.broadcast %parallel_loop3A_91 : i32 to vector<16xi32>
      %parallel_loop3A_93 = arith.shrsi %parallel_loop3A_80, %parallel_loop3A_92 : vector<16xi32>
      %parallel_loop3A_94 = arith.constant 7 : i32
      %parallel_loop3A_95 = vector.broadcast %parallel_loop3A_94 : i32 to vector<16xi32>
      %parallel_loop3A_96 = arith.andi %parallel_loop3A_93, %parallel_loop3A_95 : vector<16xi32>
      %parallel_loop3A_97 = arith.ori %parallel_loop3A_90, %parallel_loop3A_96 : vector<16xi32>
      %parallel_loop3A_98 = arith.constant 16 : i32
      %parallel_loop3A_99 = arith.muli %parallel_loop3A_74, %parallel_loop3A_98 : i32
      %parallel_loop3A_100 = arith.index_cast %parallel_loop3A_99 : i32 to index
      %parallel_loop3A_101 = tpu.vector_load %arg7[%parallel_loop3A_100] {strides = array<i32>} : memref<832xi32, #tpu.memory_space<vmem>>, vector<16xi32>,
      tpu.vector_store %arg7[%parallel_loop3A_100], %parallel_loop3A_97 {strides = array<i32>} : memref<832xi32, #tpu.memory_space<vmem>>, vector<16xi32>,
    } {sc.loop_unroll_factor = 4 : i64, sc.parallel_access}
    %dma_start3A_10 = arith.constant 0 : i32
    %dma_start3A_11 = arith.constant 0 : i32
    %dma_start3A_12 = tpu.memref_slice %arg3[%dma_start3A_10, %dma_start3A_11] : memref<1048576x16xf32, #tpu.memory_space<hbm>> -> memref<1048576x16xf32, #tpu.memory_space<hbm>>
    tpu.enqueue_indirect_dma source(%dma_start3A_12 : memref<1048576x16xf32, #tpu.memory_space<hbm>>) target(%arg11 : memref<832x16xf32, #tpu.memory_space<vmem>>) offsets(%arg7 : memref<832xi32, #tpu.memory_space<vmem>>) semaphore(%arg16 : memref<!tpu.dma_semaphore, #tpu.memory_space<semaphore_mem>>)
    %parallel_loop3A_13 = arith.constant 0 : i32
    %parallel_loop3A_14 = arith.constant 52 : i32
    %parallel_loop3A_15 = arith.constant 1 : i32
    scf.for %parallel_loop3A_74 = %parallel_loop3A_13 to %parallel_loop3A_14 step %parallel_loop3A_15  : i32 {
      %parallel_loop3A_75 = arith.constant 16 : i32
      %parallel_loop3A_76 = arith.muli %parallel_loop3A_74, %parallel_loop3A_75 : i32
      %parallel_loop3A_77 = arith.constant 1664 : i32
      %parallel_loop3A_78 = arith.addi %parallel_loop3A_77, %parallel_loop3A_76 : i32
      %parallel_loop3A_79 = arith.index_cast %parallel_loop3A_78 : i32 to index
      %parallel_loop3A_80 = tpu.vector_load %arg5[%parallel_loop3A_79] {strides = array<i32>} : memref<3328xi32, #tpu.memory_space<vmem>>, vector<16xi32>,
      %parallel_loop3A_81 = arith.constant -65536 : i32
      %parallel_loop3A_82 = vector.broadcast %parallel_loop3A_81 : i32 to vector<16xi32>
      %parallel_loop3A_83 = arith.andi %parallel_loop3A_80, %parallel_loop3A_82 : vector<16xi32>
      %parallel_loop3A_84 = arith.constant 8191 : i32
      %parallel_loop3A_85 = vector.broadcast %parallel_loop3A_84 : i32 to vector<16xi32>
      %parallel_loop3A_86 = arith.andi %parallel_loop3A_80, %parallel_loop3A_85 : vector<16xi32>
      %parallel_loop3A_87 = arith.constant 3 : i32
      %parallel_loop3A_88 = vector.broadcast %parallel_loop3A_87 : i32 to vector<16xi32>
      %parallel_loop3A_89 = arith.shli %parallel_loop3A_86, %parallel_loop3A_88 : vector<16xi32>
      %parallel_loop3A_90 = arith.ori %parallel_loop3A_83, %parallel_loop3A_89 : vector<16xi32>
      %parallel_loop3A_91 = arith.constant 13 : i32
      %parallel_loop3A_92 = vector.broadcast %parallel_loop3A_91 : i32 to vector<16xi32>
      %parallel_loop3A_93 = arith.shrsi %parallel_loop3A_80, %parallel_loop3A_92 : vector<16xi32>
      %parallel_loop3A_94 = arith.constant 7 : i32
      %parallel_loop3A_95 = vector.broadcast %parallel_loop3A_94 : i32 to vector<16xi32>
      %parallel_loop3A_96 = arith.andi %parallel_loop3A_93, %parallel_loop3A_95 : vector<16xi32>
      %parallel_loop3A_97 = arith.ori %parallel_loop3A_90, %parallel_loop3A_96 : vector<16xi32>
      %parallel_loop3A_98 = arith.constant 16 : i32
      %parallel_loop3A_99 = arith.muli %parallel_loop3A_74, %parallel_loop3A_98 : i32
      %parallel_loop3A_100 = arith.index_cast %parallel_loop3A_99 : i32 to index
      %parallel_loop3A_101 = tpu.vector_load %arg8[%parallel_loop3A_100] {strides = array<i32>} : memref<832xi32, #tpu.memory_space<vmem>>, vector<16xi32>,
      tpu.vector_store %arg8[%parallel_loop3A_100], %parallel_loop3A_97 {strides = array<i32>} : memref<832xi32, #tpu.memory_space<vmem>>, vector<16xi32>,
    } {sc.loop_unroll_factor = 4 : i64, sc.parallel_access}
    %dma_start3A_16 = arith.constant 0 : i32
    %dma_start3A_17 = arith.constant 0 : i32
    %dma_start3A_18 = tpu.memref_slice %arg3[%dma_start3A_16, %dma_start3A_17] : memref<1048576x16xf32, #tpu.memory_space<hbm>> -> memref<1048576x16xf32, #tpu.memory_space<hbm>>
    tpu.enqueue_indirect_dma source(%dma_start3A_18 : memref<1048576x16xf32, #tpu.memory_space<hbm>>) target(%arg12 : memref<832x16xf32, #tpu.memory_space<vmem>>) offsets(%arg8 : memref<832xi32, #tpu.memory_space<vmem>>) semaphore(%arg17 : memref<!tpu.dma_semaphore, #tpu.memory_space<semaphore_mem>>)
    %parallel_loop3A_19 = arith.constant 0 : i32
    %parallel_loop3A_20 = arith.constant 52 : i32
    %parallel_loop3A_21 = arith.constant 1 : i32
    scf.for %parallel_loop3A_74 = %parallel_loop3A_19 to %parallel_loop3A_20 step %parallel_loop3A_21  : i32 {
      %parallel_loop3A_75 = arith.constant 16 : i32
      %parallel_loop3A_76 = arith.muli %parallel_loop3A_74, %parallel_loop3A_75 : i32
      %parallel_loop3A_77 = arith.constant 2496 : i32
      %parallel_loop3A_78 = arith.addi %parallel_loop3A_77, %parallel_loop3A_76 : i32
      %parallel_loop3A_79 = arith.index_cast %parallel_loop3A_78 : i32 to index
      %parallel_loop3A_80 = tpu.vector_load %arg5[%parallel_loop3A_79] {strides = array<i32>} : memref<3328xi32, #tpu.memory_space<vmem>>, vector<16xi32>,
      %parallel_loop3A_81 = arith.constant -65536 : i32
      %parallel_loop3A_82 = vector.broadcast %parallel_loop3A_81 : i32 to vector<16xi32>
      %parallel_loop3A_83 = arith.andi %parallel_loop3A_80, %parallel_loop3A_82 : vector<16xi32>
      %parallel_loop3A_84 = arith.constant 8191 : i32
      %parallel_loop3A_85 = vector.broadcast %parallel_loop3A_84 : i32 to vector<16xi32>
      %parallel_loop3A_86 = arith.andi %parallel_loop3A_80, %parallel_loop3A_85 : vector<16xi32>
      %parallel_loop3A_87 = arith.constant 3 : i32
      %parallel_loop3A_88 = vector.broadcast %parallel_loop3A_87 : i32 to vector<16xi32>
      %parallel_loop3A_89 = arith.shli %parallel_loop3A_86, %parallel_loop3A_88 : vector<16xi32>
      %parallel_loop3A_90 = arith.ori %parallel_loop3A_83, %parallel_loop3A_89 : vector<16xi32>
      %parallel_loop3A_91 = arith.constant 13 : i32
      %parallel_loop3A_92 = vector.broadcast %parallel_loop3A_91 : i32 to vector<16xi32>
      %parallel_loop3A_93 = arith.shrsi %parallel_loop3A_80, %parallel_loop3A_92 : vector<16xi32>
      %parallel_loop3A_94 = arith.constant 7 : i32
      %parallel_loop3A_95 = vector.broadcast %parallel_loop3A_94 : i32 to vector<16xi32>
      %parallel_loop3A_96 = arith.andi %parallel_loop3A_93, %parallel_loop3A_95 : vector<16xi32>
      %parallel_loop3A_97 = arith.ori %parallel_loop3A_90, %parallel_loop3A_96 : vector<16xi32>
      %parallel_loop3A_98 = arith.constant 16 : i32
      %parallel_loop3A_99 = arith.muli %parallel_loop3A_74, %parallel_loop3A_98 : i32
      %parallel_loop3A_100 = arith.index_cast %parallel_loop3A_99 : i32 to index
      %parallel_loop3A_101 = tpu.vector_load %arg9[%parallel_loop3A_100] {strides = array<i32>} : memref<832xi32, #tpu.memory_space<vmem>>, vector<16xi32>,
      tpu.vector_store %arg9[%parallel_loop3A_100], %parallel_loop3A_97 {strides = array<i32>} : memref<832xi32, #tpu.memory_space<vmem>>, vector<16xi32>,
    } {sc.loop_unroll_factor = 4 : i64, sc.parallel_access}
    %dma_start3A_22 = arith.constant 0 : i32
    %dma_start3A_23 = arith.constant 0 : i32
    %dma_start3A_24 = tpu.memref_slice %arg3[%dma_start3A_22, %dma_start3A_23] : memref<1048576x16xf32, #tpu.memory_space<hbm>> -> memref<1048576x16xf32, #tpu.memory_space<hbm>>
    tpu.enqueue_indirect_dma source(%dma_start3A_24 : memref<1048576x16xf32, #tpu.memory_space<hbm>>) target(%arg13 : memref<832x16xf32, #tpu.memory_space<vmem>>) offsets(%arg9 : memref<832xi32, #tpu.memory_space<vmem>>) semaphore(%arg18 : memref<!tpu.dma_semaphore, #tpu.memory_space<semaphore_mem>>)
    %iota3A = tpu.iota {dimensions = array<i32: 0>} : vector<16xi32>
    %shift_right_arithmetic3A = arith.constant 3 : i32
    %shift_right_arithmetic3A_25 = vector.broadcast %shift_right_arithmetic3A : i32 to vector<16xi32>
    %shift_right_arithmetic3A_26 = arith.shrsi %iota3A, %shift_right_arithmetic3A_25 : vector<16xi32>
    %and3A = arith.constant 7 : i32
    %and3A_27 = vector.broadcast %and3A : i32 to vector<16xi32>
    %and3A_28 = arith.andi %iota3A, %and3A_27 : vector<16xi32>
    %broadcast_in_dim3A = arith.constant 0 : i32
    %broadcast_in_dim3A_29 = vector.broadcast %broadcast_in_dim3A : i32 to vector<16xi32>
    %broadcast_in_dim3A_30 = arith.constant 1 : i32
    %broadcast_in_dim3A_31 = vector.broadcast %broadcast_in_dim3A_30 : i32 to vector<16xi32>
    %dma_wait3A = arith.constant 0 : i32
    %dma_wait3A_32 = arith.constant 0 : i32
    %dma_wait3A_33 = tpu.memref_slice %arg3[%dma_wait3A, %dma_wait3A_32] : memref<1048576x16xf32, #tpu.memory_space<hbm>> -> memref<1048576x16xf32, #tpu.memory_space<hbm>>
    tpu.wait_indirect_dma semaphore(%arg15 : memref<!tpu.dma_semaphore, #tpu.memory_space<semaphore_mem>>) src(%dma_wait3A_33 : memref<1048576x16xf32, #tpu.memory_space<hbm>>) dst(%arg10 : memref<832x16xf32, #tpu.memory_space<vmem>>)
    %broadcast_in_dim3A_34 = arith.constant 0 : i32
    %broadcast_in_dim3A_35 = vector.broadcast %broadcast_in_dim3A_34 : i32 to vector<16xi32>
    %scan3A = arith.constant 0 : i32
    %scan3A_36 = arith.constant 26 : i32
    %scan3A_37 = arith.addi %scan3A, %scan3A_36 : i32
    %scan3A_38 = arith.constant 1 : i32
    %scan3A_39 = scf.for %scan3A_74 = %scan3A to %scan3A_37 step %scan3A_38 iter_args(%scan3A_75 = %broadcast_in_dim3A_29) -> (vector<16xi32>)  : i32 {
      %parallel_loop3A_76 = arith.constant 0 : i32
      %parallel_loop3A_77 = arith.constant 32 : i32
      %parallel_loop3A_78 = arith.constant 1 : i32
      scf.for %parallel_loop3A_80 = %parallel_loop3A_76 to %parallel_loop3A_77 step %parallel_loop3A_78  : i32 {
        %parallel_loop3A_81 = arith.constant 26 : i32
        %parallel_loop3A_82 = arith.muli %parallel_loop3A_80, %parallel_loop3A_81 : i32
        %parallel_loop3A_83 = arith.addi %parallel_loop3A_82, %scan3A_74 : i32
        %parallel_loop3A_84 = arith.index_cast %parallel_loop3A_83 : i32 to index
        %parallel_loop3A_85 = arith.constant 0 : index
        %parallel_loop3A_86 = tpu.vector_load %arg10[%parallel_loop3A_84, %parallel_loop3A_85] {strides = array<i32>} : memref<832x16xf32, #tpu.memory_space<vmem>>, vector<16xf32>,
        %parallel_loop3A_87 = vector.broadcast %parallel_loop3A_80 : i32 to vector<16xi32>
        %parallel_loop3A_88 = arith.addi %broadcast_in_dim3A_35, %parallel_loop3A_87 : vector<16xi32>
        tpu.vector_store_idx %arg14[%scan3A_75, %shift_right_arithmetic3A_26, %broadcast_in_dim3A_29, %and3A_28, %parallel_loop3A_88], %parallel_loop3A_86 : memref<26x2x1x8x129xf32, #tpu.memory_space<vmem>>[vector<16xi32>, vector<16xi32>, vector<16xi32>, vector<16xi32>, vector<16xi32>], vector<16xf32>,
      } {sc.loop_unroll_factor = 8 : i64, sc.parallel_access}
      %add3A_79 = arith.addi %scan3A_75, %broadcast_in_dim3A_31 : vector<16xi32>
      scf.yield %add3A_79 : vector<16xi32>
    }
    %scan3A_40 = arith.constant 26 : i32
    %dma_wait3A_41 = arith.constant 0 : i32
    %dma_wait3A_42 = arith.constant 0 : i32
    %dma_wait3A_43 = tpu.memref_slice %arg3[%dma_wait3A_41, %dma_wait3A_42] : memref<1048576x16xf32, #tpu.memory_space<hbm>> -> memref<1048576x16xf32, #tpu.memory_space<hbm>>
    tpu.wait_indirect_dma semaphore(%arg16 : memref<!tpu.dma_semaphore, #tpu.memory_space<semaphore_mem>>) src(%dma_wait3A_43 : memref<1048576x16xf32, #tpu.memory_space<hbm>>) dst(%arg11 : memref<832x16xf32, #tpu.memory_space<vmem>>)
    %broadcast_in_dim3A_44 = arith.constant 32 : i32
    %broadcast_in_dim3A_45 = vector.broadcast %broadcast_in_dim3A_44 : i32 to vector<16xi32>
    %scan3A_46 = arith.constant 0 : i32
    %scan3A_47 = arith.constant 26 : i32
    %scan3A_48 = arith.addi %scan3A_46, %scan3A_47 : i32
    %scan3A_49 = arith.constant 1 : i32
    %scan3A_50 = scf.for %scan3A_74 = %scan3A_46 to %scan3A_48 step %scan3A_49 iter_args(%scan3A_75 = %broadcast_in_dim3A_29) -> (vector<16xi32>)  : i32 {
      %parallel_loop3A_76 = arith.constant 0 : i32
      %parallel_loop3A_77 = arith.constant 32 : i32
      %parallel_loop3A_78 = arith.constant 1 : i32
      scf.for %parallel_loop3A_80 = %parallel_loop3A_76 to %parallel_loop3A_77 step %parallel_loop3A_78  : i32 {
        %parallel_loop3A_81 = arith.constant 26 : i32
        %parallel_loop3A_82 = arith.muli %parallel_loop3A_80, %parallel_loop3A_81 : i32
        %parallel_loop3A_83 = arith.addi %parallel_loop3A_82, %scan3A_74 : i32
        %parallel_loop3A_84 = arith.index_cast %parallel_loop3A_83 : i32 to index
        %parallel_loop3A_85 = arith.constant 0 : index
        %parallel_loop3A_86 = tpu.vector_load %arg11[%parallel_loop3A_84, %parallel_loop3A_85] {strides = array<i32>} : memref<832x16xf32, #tpu.memory_space<vmem>>, vector<16xf32>,
        %parallel_loop3A_87 = vector.broadcast %parallel_loop3A_80 : i32 to vector<16xi32>
        %parallel_loop3A_88 = arith.addi %broadcast_in_dim3A_45, %parallel_loop3A_87 : vector<16xi32>
        tpu.vector_store_idx %arg14[%scan3A_75, %shift_right_arithmetic3A_26, %broadcast_in_dim3A_29, %and3A_28, %parallel_loop3A_88], %parallel_loop3A_86 : memref<26x2x1x8x129xf32, #tpu.memory_space<vmem>>[vector<16xi32>, vector<16xi32>, vector<16xi32>, vector<16xi32>, vector<16xi32>], vector<16xf32>,
      } {sc.loop_unroll_factor = 8 : i64, sc.parallel_access}
      %add3A_79 = arith.addi %scan3A_75, %broadcast_in_dim3A_31 : vector<16xi32>
      scf.yield %add3A_79 : vector<16xi32>
    }
    %scan3A_51 = arith.constant 26 : i32
    %dma_wait3A_52 = arith.constant 0 : i32
    %dma_wait3A_53 = arith.constant 0 : i32
    %dma_wait3A_54 = tpu.memref_slice %arg3[%dma_wait3A_52, %dma_wait3A_53] : memref<1048576x16xf32, #tpu.memory_space<hbm>> -> memref<1048576x16xf32, #tpu.memory_space<hbm>>
    tpu.wait_indirect_dma semaphore(%arg17 : memref<!tpu.dma_semaphore, #tpu.memory_space<semaphore_mem>>) src(%dma_wait3A_54 : memref<1048576x16xf32, #tpu.memory_space<hbm>>) dst(%arg12 : memref<832x16xf32, #tpu.memory_space<vmem>>)
    %broadcast_in_dim3A_55 = arith.constant 64 : i32
    %broadcast_in_dim3A_56 = vector.broadcast %broadcast_in_dim3A_55 : i32 to vector<16xi32>
    %scan3A_57 = arith.constant 0 : i32
    %scan3A_58 = arith.constant 26 : i32
    %scan3A_59 = arith.addi %scan3A_57, %scan3A_58 : i32
    %scan3A_60 = arith.constant 1 : i32
    %scan3A_61 = scf.for %scan3A_74 = %scan3A_57 to %scan3A_59 step %scan3A_60 iter_args(%scan3A_75 = %broadcast_in_dim3A_29) -> (vector<16xi32>)  : i32 {
      %parallel_loop3A_76 = arith.constant 0 : i32
      %parallel_loop3A_77 = arith.constant 32 : i32
      %parallel_loop3A_78 = arith.constant 1 : i32
      scf.for %parallel_loop3A_80 = %parallel_loop3A_76 to %parallel_loop3A_77 step %parallel_loop3A_78  : i32 {
        %parallel_loop3A_81 = arith.constant 26 : i32
        %parallel_loop3A_82 = arith.muli %parallel_loop3A_80, %parallel_loop3A_81 : i32
        %parallel_loop3A_83 = arith.addi %parallel_loop3A_82, %scan3A_74 : i32
        %parallel_loop3A_84 = arith.index_cast %parallel_loop3A_83 : i32 to index
        %parallel_loop3A_85 = arith.constant 0 : index
        %parallel_loop3A_86 = tpu.vector_load %arg12[%parallel_loop3A_84, %parallel_loop3A_85] {strides = array<i32>} : memref<832x16xf32, #tpu.memory_space<vmem>>, vector<16xf32>,
        %parallel_loop3A_87 = vector.broadcast %parallel_loop3A_80 : i32 to vector<16xi32>
        %parallel_loop3A_88 = arith.addi %broadcast_in_dim3A_56, %parallel_loop3A_87 : vector<16xi32>
        tpu.vector_store_idx %arg14[%scan3A_75, %shift_right_arithmetic3A_26, %broadcast_in_dim3A_29, %and3A_28, %parallel_loop3A_88], %parallel_loop3A_86 : memref<26x2x1x8x129xf32, #tpu.memory_space<vmem>>[vector<16xi32>, vector<16xi32>, vector<16xi32>, vector<16xi32>, vector<16xi32>], vector<16xf32>,
      } {sc.loop_unroll_factor = 8 : i64, sc.parallel_access}
      %add3A_79 = arith.addi %scan3A_75, %broadcast_in_dim3A_31 : vector<16xi32>
      scf.yield %add3A_79 : vector<16xi32>
    }
    %scan3A_62 = arith.constant 26 : i32
    %dma_wait3A_63 = arith.constant 0 : i32
    %dma_wait3A_64 = arith.constant 0 : i32
    %dma_wait3A_65 = tpu.memref_slice %arg3[%dma_wait3A_63, %dma_wait3A_64] : memref<1048576x16xf32, #tpu.memory_space<hbm>> -> memref<1048576x16xf32, #tpu.memory_space<hbm>>
    tpu.wait_indirect_dma semaphore(%arg18 : memref<!tpu.dma_semaphore, #tpu.memory_space<semaphore_mem>>) src(%dma_wait3A_65 : memref<1048576x16xf32, #tpu.memory_space<hbm>>) dst(%arg13 : memref<832x16xf32, #tpu.memory_space<vmem>>)
    %broadcast_in_dim3A_66 = arith.constant 96 : i32
    %broadcast_in_dim3A_67 = vector.broadcast %broadcast_in_dim3A_66 : i32 to vector<16xi32>
    %scan3A_68 = arith.constant 0 : i32
    %scan3A_69 = arith.constant 26 : i32
    %scan3A_70 = arith.addi %scan3A_68, %scan3A_69 : i32
    %scan3A_71 = arith.constant 1 : i32
    %scan3A_72 = scf.for %scan3A_74 = %scan3A_68 to %scan3A_70 step %scan3A_71 iter_args(%scan3A_75 = %broadcast_in_dim3A_29) -> (vector<16xi32>)  : i32 {
      %parallel_loop3A_76 = arith.constant 0 : i32
      %parallel_loop3A_77 = arith.constant 32 : i32
      %parallel_loop3A_78 = arith.constant 1 : i32
      scf.for %parallel_loop3A_80 = %parallel_loop3A_76 to %parallel_loop3A_77 step %parallel_loop3A_78  : i32 {
        %parallel_loop3A_81 = arith.constant 26 : i32
        %parallel_loop3A_82 = arith.muli %parallel_loop3A_80, %parallel_loop3A_81 : i32
        %parallel_loop3A_83 = arith.addi %parallel_loop3A_82, %scan3A_74 : i32
        %parallel_loop3A_84 = arith.index_cast %parallel_loop3A_83 : i32 to index
        %parallel_loop3A_85 = arith.constant 0 : index
        %parallel_loop3A_86 = tpu.vector_load %arg13[%parallel_loop3A_84, %parallel_loop3A_85] {strides = array<i32>} : memref<832x16xf32, #tpu.memory_space<vmem>>, vector<16xf32>,
        %parallel_loop3A_87 = vector.broadcast %parallel_loop3A_80 : i32 to vector<16xi32>
        %parallel_loop3A_88 = arith.addi %broadcast_in_dim3A_67, %parallel_loop3A_87 : vector<16xi32>
        tpu.vector_store_idx %arg14[%scan3A_75, %shift_right_arithmetic3A_26, %broadcast_in_dim3A_29, %and3A_28, %parallel_loop3A_88], %parallel_loop3A_86 : memref<26x2x1x8x129xf32, #tpu.memory_space<vmem>>[vector<16xi32>, vector<16xi32>, vector<16xi32>, vector<16xi32>, vector<16xi32>], vector<16xf32>,
      } {sc.loop_unroll_factor = 8 : i64, sc.parallel_access}
      %add3A_79 = arith.addi %scan3A_75, %broadcast_in_dim3A_31 : vector<16xi32>
      scf.yield %add3A_79 : vector<16xi32>
    }
    %scan3A_73 = arith.constant 26 : i32
    "tpu.region"() ({
      %run_scoped3A = tpu.sem_alloc : memref<!tpu.dma_semaphore, #tpu.memory_space<semaphore_mem>>
      %dma_start3A_74 = arith.constant 0 : i32
      %dma_start3A_75 = arith.constant 0 : i32
      %dma_start3A_76 = arith.constant 0 : i32
      %dma_start3A_77 = arith.constant 0 : i32
      %dma_start3A_78 = arith.constant 0 : i32
      %dma_start3A_79 = tpu.memref_slice %arg14[%dma_start3A_74, %dma_start3A_75, %dma_start3A_76, %dma_start3A_77, %dma_start3A_78] : memref<26x2x1x8x129xf32, #tpu.memory_space<vmem>> -> memref<26x2x1x8x128xf32, #tpu.memory_space<vmem>>
      %dma_start3A_80 = arith.constant 0 : i32
      %dma_start3A_81 = arith.constant 0 : i32
      %dma_start3A_82 = arith.constant 0 : i32
      %dma_start3A_83 = arith.constant 0 : i32
      %dma_start3A_84 = tpu.memref_slice %arg4[%dma_start3A_80, %dma_start3A_81, %add3A, %dma_start3A_82, %dma_start3A_83] : memref<26x2x32x8x128xf32, #tpu.memory_space<hbm>> -> memref<26x2x1x8x128xf32, #tpu.memory_space<hbm>>
      %dma_start3A_85 = arith.constant 0 : i32
      %dma_start3A_86 = arith.constant 0 : i32
      %dma_start3A_87 = arith.constant 0 : i32
      %dma_start3A_88 = arith.constant 0 : i32
      %dma_start3A_89 = tpu.memref_slice %arg4[%dma_start3A_85, %dma_start3A_86, %add3A, %dma_start3A_87, %dma_start3A_88] : memref<26x2x32x8x128xf32, #tpu.memory_space<hbm>> -> memref<26x2x1x8x128xf32, #tpu.memory_space<hbm>>
      %dma_start3A_90 = arith.constant 0 : i32
      %dma_start3A_91 = arith.constant 0 : i32
      %dma_start3A_92 = arith.constant 0 : i32
      %dma_start3A_93 = arith.constant 0 : i32
      %dma_start3A_94 = arith.constant 0 : i32
      %dma_start3A_95 = tpu.memref_slice %arg14[%dma_start3A_90, %dma_start3A_91, %dma_start3A_92, %dma_start3A_93, %dma_start3A_94] : memref<26x2x1x8x129xf32, #tpu.memory_space<vmem>> -> memref<26x2x1x8x128xf32, #tpu.memory_space<vmem>>
      tpu.enqueue_dma source(%dma_start3A_95 : memref<26x2x1x8x128xf32, #tpu.memory_space<vmem>>) target(%dma_start3A_89 : memref<26x2x1x8x128xf32, #tpu.memory_space<hbm>>) target_semaphore(%run_scoped3A : memref<!tpu.dma_semaphore, #tpu.memory_space<semaphore_mem>>)
      %dma_wait3A_96 = arith.constant 0 : i32
      %dma_wait3A_97 = arith.constant 0 : i32
      %dma_wait3A_98 = arith.constant 0 : i32
      %dma_wait3A_99 = arith.constant 0 : i32
      %dma_wait3A_100 = arith.constant 0 : i32
      %dma_wait3A_101 = tpu.memref_slice %arg14[%dma_wait3A_96, %dma_wait3A_97, %dma_wait3A_98, %dma_wait3A_99, %dma_wait3A_100] : memref<26x2x1x8x129xf32, #tpu.memory_space<vmem>> -> memref<26x2x1x8x128xf32, #tpu.memory_space<vmem>>
      %dma_wait3A_102 = arith.constant 0 : i32
      %dma_wait3A_103 = arith.constant 0 : i32
      %dma_wait3A_104 = arith.constant 0 : i32
      %dma_wait3A_105 = arith.constant 0 : i32
      %dma_wait3A_106 = tpu.memref_slice %arg4[%dma_wait3A_102, %dma_wait3A_103, %add3A, %dma_wait3A_104, %dma_wait3A_105] : memref<26x2x32x8x128xf32, #tpu.memory_space<hbm>> -> memref<26x2x1x8x128xf32, #tpu.memory_space<hbm>>
      %dma_wait3A_107 = arith.constant 0 : i32
      %dma_wait3A_108 = arith.constant 0 : i32
      %dma_wait3A_109 = arith.constant 0 : i32
      %dma_wait3A_110 = arith.constant 0 : i32
      %dma_wait3A_111 = tpu.memref_slice %arg4[%dma_wait3A_107, %dma_wait3A_108, %add3A, %dma_wait3A_109, %dma_wait3A_110] : memref<26x2x32x8x128xf32, #tpu.memory_space<hbm>> -> memref<26x2x1x8x128xf32, #tpu.memory_space<hbm>>
      %dma_wait3A_112 = arith.constant 0 : i32
      %dma_wait3A_113 = arith.constant 0 : i32
      %dma_wait3A_114 = arith.constant 0 : i32
      %dma_wait3A_115 = arith.constant 0 : i32
      %dma_wait3A_116 = arith.constant 0 : i32
      %dma_wait3A_117 = tpu.memref_slice %arg14[%dma_wait3A_112, %dma_wait3A_113, %dma_wait3A_114, %dma_wait3A_115, %dma_wait3A_116] : memref<26x2x1x8x129xf32, #tpu.memory_space<vmem>> -> memref<26x2x1x8x128xf32, #tpu.memory_space<vmem>>
      tpu.wait_dma2 semaphore(%run_scoped3A : memref<!tpu.dma_semaphore, #tpu.memory_space<semaphore_mem>>) src(%dma_wait3A_117 : memref<26x2x1x8x128xf32, #tpu.memory_space<vmem>>) dst(%dma_wait3A_111 : memref<26x2x1x8x128xf32, #tpu.memory_space<hbm>>)
      tpu.yield
    }) : () -> ()
    return
  }
}

module attributes {stable_mosaic.version = 14 : i64} {
  func.func @_tr_body(%arg0: i32, %arg1: memref<16x65536xf32, #tpu.memory_space<vmem>>, %arg2: memref<1x65536xf32, #tpu.memory_space<vmem>>, %arg3: memref<8192x128xf32, #tpu.memory_space<vmem>>) attributes {dimension_semantics = [#tpu.dimension_semantics<arbitrary>], iteration_bounds = array<i64: 16>, scalar_prefetch = 0 : i64, scratch_operands = 0 : i64, tpu.core_type = #tpu.core_type<tc>, window_params = [{transform_indices = @transform_0, window_bounds = array<i64: 16, 65536>}, {transform_indices = @transform_1, window_bounds = array<i64: 1, 65536>}, {transform_indices = @transform_2, window_bounds = array<i64: 8192, 128>}]} {
    %mul3A = arith.constant 65536 : i32
    %mul3A_0 = arith.muli %arg0, %mul3A : i32
    %get3A = arith.constant 0 : index
    %get3A_1 = arith.constant 0 : index
    %get3A_2 = vector.load %arg2[%get3A, %get3A_1] : memref<1x65536xf32, #tpu.memory_space<vmem>>, vector<1x65536xf32>
    %mul3A_3 = arith.constant -1.000000e+01 : f32
    %mul3A_4 = vector.broadcast %mul3A_3 : f32 to vector<1x65536xf32>
    %mul3A_5 = arith.mulf %get3A_2, %mul3A_4 : vector<1x65536xf32>
    %exp3A = math.exp %mul3A_5 : vector<1x65536xf32>
    %add3A = arith.constant 1.000000e+00 : f32
    %add3A_6 = vector.broadcast %add3A : f32 to vector<1x65536xf32>
    %add3A_7 = arith.addf %add3A_6, %exp3A : vector<1x65536xf32>
    %div3A = arith.constant 1.60653067 : f32
    %div3A_8 = vector.broadcast %div3A : f32 to vector<1x65536xf32>
    %div3A_9 = arith.divf %div3A_8, %add3A_7 : vector<1x65536xf32>
    %get3A_10 = arith.constant 0 : index
    %get3A_11 = arith.constant 0 : index
    %get3A_12 = vector.load %arg1[%get3A_10, %get3A_11] : memref<16x65536xf32, #tpu.memory_space<vmem>>, vector<16x65536xf32>
    %mul3A_13 = vector.broadcast %div3A_9 : vector<1x65536xf32> to vector<16x65536xf32>
    %mul3A_14 = arith.mulf %get3A_12, %mul3A_13 : vector<16x65536xf32>
    %iota3A = tpu.iota {dimensions = array<i32: 1>} : vector<1x65536xi32>
    %add3A_15 = vector.broadcast %mul3A_0 : i32 to vector<1x65536xi32>
    %add3A_16 = arith.addi %add3A_15, %iota3A : vector<1x65536xi32>
    %lt3A = arith.constant 1000000 : i32
    %lt3A_17 = vector.broadcast %lt3A : i32 to vector<1x65536xi32>
    %lt3A_18 = arith.cmpi slt, %add3A_16, %lt3A_17 : vector<1x65536xi32>
    %jit3A = arith.constant 0.000000e+00 : f32
    %broadcast_in_dim3A = vector.shape_cast %lt3A_18 : vector<1x65536xi1> to vector<1x65536xi1>
    %broadcast_in_dim3A_19 = vector.broadcast %broadcast_in_dim3A : vector<1x65536xi1> to vector<16x65536xi1>
    %broadcast_in_dim3A_20 = vector.broadcast %jit3A : f32 to vector<16x65536xf32>
    %select_n3A = arith.select %broadcast_in_dim3A_19, %mul3A_14, %broadcast_in_dim3A_20 : vector<16x65536xi1>, vector<16x65536xf32>
    %slice3A = vector.extract_strided_slice %select_n3A {offsets = [0, 0], sizes = [16, 8192], strides = [1, 1]} : vector<16x65536xf32> to vector<16x8192xf32>
    %slice3A_21 = vector.extract_strided_slice %select_n3A {offsets = [0, 8192], sizes = [16, 8192], strides = [1, 1]} : vector<16x65536xf32> to vector<16x8192xf32>
    %slice3A_22 = vector.extract_strided_slice %select_n3A {offsets = [0, 16384], sizes = [16, 8192], strides = [1, 1]} : vector<16x65536xf32> to vector<16x8192xf32>
    %slice3A_23 = vector.extract_strided_slice %select_n3A {offsets = [0, 24576], sizes = [16, 8192], strides = [1, 1]} : vector<16x65536xf32> to vector<16x8192xf32>
    %slice3A_24 = vector.extract_strided_slice %select_n3A {offsets = [0, 32768], sizes = [16, 8192], strides = [1, 1]} : vector<16x65536xf32> to vector<16x8192xf32>
    %slice3A_25 = vector.extract_strided_slice %select_n3A {offsets = [0, 40960], sizes = [16, 8192], strides = [1, 1]} : vector<16x65536xf32> to vector<16x8192xf32>
    %slice3A_26 = vector.extract_strided_slice %select_n3A {offsets = [0, 49152], sizes = [16, 8192], strides = [1, 1]} : vector<16x65536xf32> to vector<16x8192xf32>
    %slice3A_27 = vector.extract_strided_slice %select_n3A {offsets = [0, 57344], sizes = [16, 8192], strides = [1, 1]} : vector<16x65536xf32> to vector<16x8192xf32>
    %concatenate3A = tpu.concatenate %slice3A, %slice3A_21, %slice3A_22, %slice3A_23, %slice3A_24, %slice3A_25, %slice3A_26, %slice3A_27 in 0 : vector<16x8192xf32>, vector<16x8192xf32>, vector<16x8192xf32>, vector<16x8192xf32>, vector<16x8192xf32>, vector<16x8192xf32>, vector<16x8192xf32>, vector<16x8192xf32> -> vector<128x8192xf32>
    %iota3A_28 = tpu.iota {dimensions = array<i32: 0>} : vector<128x128xi32>
    %iota3A_29 = tpu.iota {dimensions = array<i32: 1>} : vector<128x128xi32>
    %add3A_30 = arith.constant 0 : i32
    %add3A_31 = vector.broadcast %add3A_30 : i32 to vector<128x128xi32>
    %add3A_32 = arith.addi %iota3A_28, %add3A_31 : vector<128x128xi32>
    %eq3A = arith.cmpi eq, %add3A_32, %iota3A_29 : vector<128x128xi32>
    %convert_element_type3A = arith.extui %eq3A : vector<128x128xi1> to vector<128x128xi32>
    %convert_element_type3A_33 = arith.sitofp %convert_element_type3A : vector<128x128xi32> to vector<128x128xf32>
    %dot_general3A = arith.constant dense<0.000000e+00> : vector<8192x128xf32>
    %dot_general3A_34 = tpu.matmul %concatenate3A, %convert_element_type3A_33, %dot_general3A {dimension_numbers = #tpu.dot_dimension_numbers<[0], [0], [1], [1], [0, 1, 1, 1], [], []>, transpose_lhs_hint = false} : vector<128x8192xf32>, vector<128x128xf32>, vector<8192x128xf32> -> vector<8192x128xf32>
    %swap3A = arith.constant 0 : index
    %swap3A_35 = arith.constant 0 : index
    %swap3A_36 = vector.load %arg3[%swap3A, %swap3A_35] : memref<8192x128xf32, #tpu.memory_space<vmem>>, vector<8192x128xf32>
    tpu.vector_store %arg3[%swap3A, %swap3A_35], %dot_general3A_34 {strides = array<i32>} : memref<8192x128xf32, #tpu.memory_space<vmem>>, vector<8192x128xf32>,
    return
  }
  func.func @transform_0(%arg0: i32) -> (i32, i32) {
    %c0_i32 = arith.constant 0 : i32
    %c0_i32_0 = arith.constant 0 : i32
    return %c0_i32, %arg0 : i32, i32
  }
  func.func @transform_1(%arg0: i32) -> (i32, i32) {
    %c0_i32 = arith.constant 0 : i32
    %c0_i32_0 = arith.constant 0 : i32
    return %c0_i32, %arg0 : i32, i32
  }
  func.func @transform_2(%arg0: i32) -> (i32, i32) {
    %c0_i32 = arith.constant 0 : i32
    %c0_i32_0 = arith.constant 0 : i32
    return %arg0, %c0_i32 : i32, i32
  }
}

</mosaic_0001>

<sc_bundles>
// kernel: _run.4.cloned.1.call-start
scs
__scs_entry_jumppad:
0x0: {  	(pc) =	sbr.rel $0x88, $3  }
0x1: {  	(tag) =	ssettag $0x0;
	lr =	simm.s32 $0x1  }
0x2: {  	[smem:$0x3F9E] =	sst lr;
	_ =	strace $0xD0000000  }
0x3: {  	_ = 	snop  }
0x4: {  	_ = 	snop  }
0x5: {  	_ = 	snop  }
0x6: {  	_ = 	snop  }
0x7: {  	_ = 	snop  }
__scs_overlays_trampoline_lowered:
0x8: {  	[smem:$0x3FAD] =	sst s0  }
0x9: {  	[smem:$0x3FAE] =	sst s1  }
0xa: {  	[smem:$0x3FAF] =	sst s2  }
0xb: {  	[smem:$0x3FB0] =	sst s3  }
0xc: {  	[smem:$0x3FB1] =	sst s4  }
0xd: {  	[smem:$0x3FB2] =	sst s5  }
0xe: {  	[smem:$0x3FB3] =	sst s6  }
0xf: {  	[smem:$0x3FB4] =	sst s7  }
0x10: {  	[smem:$0x3FB5] =	sst s8  }
0x11: {  	[smem:$0x3FB6] =	sst s9;
	s0 =	simm.s32 @!p0 $0x0  }
0x12: {  	s1 =	sld [smem:$0x3F9C];
	s0 =	simm.s32 @p0 $0x1  }
0x13: {  	[smem:$0x3FB7] =	sst s0;
	s0 =	simm.s32 @!p1 $0x0  }
0x14: {  	s2 =	sld [smem:$0x3F9B];
	s0 =	simm.s32 @p1 $0x1  }
0x15: {  	[smem:$0x3FB8] =	sst s0;
	s0 =	simm.s32 @!p2 $0x0  }
0x16: {  	s3 =	sld [smem:$0x3FDB];
	s0 =	simm.s32 @p2 $0x1  }
0x17: {  	s4 =	simm.s32 $0x1BF5;
	[smem:$0x3FBA] =	sst s0  }
0x18: {  	s0 =	sld [smem:$0x3F9D];
	_ =	swait.ge [sflag:s4], $0x0  }
0x19: {  	s7 =	sld [smem:$0x3F9E]  }
0x1a: {  	s8 =	sadd.s32 $0xFFFFE003, lr  }
0x1b: {  	s9 =	sadd.s32 $0xFFFFFEF7, lr;
	s5 =	simm.s32 $0xFFFFFFFF;
	p2 =	slt.u32 s8, $0xFFFFF086  }
0x1c: {  	p1 =	slt.u32 s9, $0xF7A;
	s5 =	simm.s32 @!p2 $0x0  }
0x1d: {  	s5 =	simm.s32 @p1 $0x1;
	p0 =	seq.s32 s7, s2  }
0x1e: {  	s7 =	smul.u32 @!p0 $0xF7A, s2;
	p2 =	seq.s32 @!p0 s5, $0x0  }
0x1f: {  	s9 =	smul.u32 $0xF7A, s1;
	s8 =	simm.s32 @!p0 $0x1BF5;
	p2 =	por !p2, p0  }
0x20: {  	[sflag:s8] =	ssyncset.s32 @!p0 $0xFFFFF086;
	s6 =	sadd.s32 @!p0 s3, s7;
	s7 =	simm.s32 @!p0 $0x108  }
0x21: {  	s3 =	sadd.s32 s3, s9;
	s6 =	sadd.s32 @!p0 $0x88, s6;
	s7 =	simm.s32 @p2 $0x1082  }
0x22: {  	[simem:s7], [sflag:s8] =	dma.local @!p0 [hbm:s6], $0xF7A  }
0x23: {  	s9 =	sor.u32 $0xD0000000, s2;
	s6 =	simm.s32 $0x108;
	_ =	swait.ge @!p0 [sflag:s8], $0x0  }
0x24: {  	s3 =	sadd.s32 $0x88, s3;
	s6 =	simm.s32 @!p1 $0x1082;
	[sflag:s4] =	ssyncset.s32 $0xFFFFF086  }
0x25: {  	[simem:s6], [sflag:s4] =	dma.local [hbm:s3], $0xF7A  }
0x26: {  	[smem:$0x3F9E] =	sst s1;
	(tag) =	ssettag s2;
	_ =	strace s9  }
0x27: {  	s1 =	sld [smem:$0x3FAE]  }
0x28: {  	s2 =	sld [smem:$0x3FAF]  }
0x29: {  	s4 =	sld [smem:$0x3FB1]  }
0x2a: {  	p0 =	seq.s32 s5, $0x0;
	s5 =	sld [smem:$0x3FB2]  }
0x2b: {  	s6 =	sld [smem:$0x3FB3]  }
0x2c: {  	s7 =	sld [smem:$0x3FB4]  }
0x2d: {  	s3 =	simm.s32 $0x108;
	s8 =	sld [smem:$0x3FB5]  }
0x2e: {  	s3 =	simm.s32 @!p0 $0x1082;
	s9 =	sld [smem:$0x3FB6]  }
0x2f: {  	lr =	sadd.s32 s0, s3;
	s0 =	sld [smem:$0x3FAD]  }
0x30: {  	s3 =	sld [smem:$0x3FB0]  }
0x31: {  	[smem:$0x3FB9] =	sst s10  }
0x32: {  	s10 =	sld [smem:$0x3FB7];
	_ =	sdelay $0x3  }
0x33: {  	p0 =	seq.s32 s10, $0x1;
	s10 =	sld [smem:$0x3FB9];
	_ =	sdelay $0x3  }
0x34: {  	[smem:$0x3FB9] =	sst s10  }
0x35: {  	s10 =	sld [smem:$0x3FB8];
	_ =	sdelay $0x3  }
0x36: {  	p1 =	seq.s32 s10, $0x1;
	s10 =	sld [smem:$0x3FB9];
	_ =	sdelay $0x3  }
0x37: {  	[smem:$0x3FB9] =	sst s10  }
0x38: {  	s10 =	sld [smem:$0x3FBA]  }
0x39: {  	_ = 	snop;
	(pc) =	sbr.ind lr, $3  }
0x3a: {  	_ = 	snop  }
0x3b: {  	_ = 	snop  }
0x3c: {  	p2 =	seq.s32 s10, $0x1;
	s10 =	sld [smem:$0x3FB9]  }
0x3d: {  	_ =	shalt  }
0x3e: {  	_ =	shalt  }
0x3f: {  	_ =	shalt  }
0x40: {  	_ =	shalt  }
0x41: {  	_ =	shalt  }
0x42: {  	_ =	shalt  }
0x43: {  	_ =	shalt  }
0x44: {  	_ =	shalt  }
0x45: {  	_ =	shalt  }
0x46: {  	_ =	shalt  }
0x47: {  	_ =	shalt  }
0x48: {  	_ =	shalt  }
0x49: {  	_ =	shalt  }
0x4a: {  	_ =	shalt  }
0x4b: {  	_ =	shalt  }
0x4c: {  	_ =	shalt  }
0x4d: {  	_ =	shalt  }
0x4e: {  	_ =	shalt  }
0x4f: {  	_ =	shalt  }
0x50: {  	_ =	shalt  }
0x51: {  	_ =	shalt  }
0x52: {  	_ =	shalt  }
0x53: {  	_ =	shalt  }
0x54: {  	_ =	shalt  }
0x55: {  	_ =	shalt  }
0x56: {  	_ =	shalt  }
0x57: {  	_ =	shalt  }
0x58: {  	_ =	shalt  }
0x59: {  	_ =	shalt  }
0x5a: {  	_ =	shalt  }
0x5b: {  	_ =	shalt  }
0x5c: {  	_ =	shalt  }
0x5d: {  	_ =	shalt  }
0x5e: {  	_ =	shalt  }
0x5f: {  	_ =	shalt  }
0x60: {  	_ =	shalt  }
0x61: {  	_ =	shalt  }
0x62: {  	_ =	shalt  }
0x63: {  	_ =	shalt  }
0x64: {  	_ =	shalt  }
0x65: {  	_ =	shalt  }
0x66: {  	_ =	shalt  }
0x67: {  	_ =	shalt  }
0x68: {  	_ =	shalt  }
0x69: {  	_ =	shalt  }
0x6a: {  	_ =	shalt  }
0x6b: {  	_ =	shalt  }
0x6c: {  	_ =	shalt  }
0x6d: {  	_ =	shalt  }
0x6e: {  	_ =	shalt  }
0x6f: {  	_ =	shalt  }
0x70: {  	_ =	shalt  }
0x71: {  	_ =	shalt  }
0x72: {  	_ =	shalt  }
0x73: {  	_ =	shalt  }
0x74: {  	_ =	shalt  }
0x75: {  	_ =	shalt  }
0x76: {  	_ =	shalt  }
0x77: {  	_ =	shalt  }
0x78: {  	_ =	shalt  }
0x79: {  	_ =	shalt  }
0x7a: {  	_ =	shalt  }
0x7b: {  	_ =	shalt  }
0x7c: {  	_ =	shalt  }
0x7d: {  	_ =	shalt  }
0x7e: {  	_ =	shalt  }
0x7f: {  	_ =	shalt  }
0x80: {  	_ =	shalt  }
0x81: {  	_ =	shalt  }
0x82: {  	_ =	shalt  }
0x83: {  	_ =	shalt  }
0x84: {  	_ =	shalt  }
0x85: {  	_ =	shalt  }
0x86: {  	_ =	shalt  }
0x87: {  	_ =	shalt  }
.Lfunc_end0:
.L_simem_size_0:
called_computation_lowered:
.L_overlay_start_0:
0x88: {  	s2 =	sld [smem:$0x3FD9]  }
0x89: {  	s3 =	sld [smem:$0x3FFE];
	_ =	sdelay $0x1  }
0x8a: {  	s1 =	srdreg.scid  }
0x8b: {  	s0 =	sand.u32 $0x1, s1  }
0x8c: {  	s17 =	sshll.u32 s0, $0xA;
	s2 =	sadd.s32 s3, s2  }
0x8d: {  	s2 =	sadd.s32 s2, s17  }
0x8e: {  	[smem:$0x3FC5] =	sst s2  }
0x8f: {  	_ = 	snop  }
0x90: {  	s2 =	sld [smem:$0x3FD0];
	(tm) =	ssettm $0x1  }
0x91: {  	s18 =	sld [smem:$0x3FFB];
	_ =	sdelay $0x3  }
0x92: {  	_ =	strace s18  }
0x93: {  	s3 =	sld [smem:$0x3FFC];
	_ =	sdelay $0x3  }
0x94: {  	_ =	strace s3  }
0x95: {  	s3 =	sld [smem:$0x3FFD];
	_ =	sdelay $0x3  }
0x96: {  	_ =	strace s3  }
0x97: {  	_ =	strace $0x8FFFFFFF  }
0x98: {  	s19 =	sld [smem:$0x3FDB];
	_ =	sdelay $0x1  }
0x99: {  	s4 =	simm.s32 $_scs_section_size  }
0x9a: {  	s5 =	simm.s32 $_size__tile_overlayer_lowered;
	s6 =	simm.s32 $_tile_overlayer_lowered  }
0x9b: {  	s22 =	simm.s32 $0x1BFF;
	s21 =	sshll.u32 s6, $0x1;
	s3 =	sadd.s32 s4, s19  }
0x9c: {  	s7 =	simm.s32 $0x0;
	s20 =	sshll.u32 s5, $0x1;
	s5 =	sadd.s32 s21, s3  }
0x9d: {  	[timem:s7], [sflag:s22] =	dma.local [hbm:s5], s20  }
0x9e: {  	_ =	swait.ge [sflag:s22], s20  }
0x9f: {  	s4 =	ssub.s32 $0x0, s20;
	[sflag:s22] =	ssyncset.done $0x0  }
0xa0: {  	[sflag:s22] =	ssyncadd.s32 s4;
	_ =	sdelay $0x1  }
0xa1: {  	s23 =	simm.s32 $0x1B8B  }
0xa2: {  	_ =	swait.ge [sflag:s23], $0x1  }
0xa3: {  	[sflag:s23] =	ssyncset.done $0x0  }
0xa4: {  	s25 =	simm.s32 $0x1B8E;
	s24 =	sld [smem:$0x3FFE];
	[sflag:s23] =	ssyncadd.s32 $0xFFFFFFFF  }
0xa5: {  	s26 =	simm.s32 $execute0_lowered;
	[smem:$0x3FD2] =	sst s25  }
0xa6: {  	s5 =	sshll.u32 s26, $0x1;
	_ =	strace $0x80000046;
	[dreg:$0x1] =	wrdreg $0xFFFFFFFF  }
0xa7: {  	s28 =	simm.s32 $_size_execute0_lowered;
	s3 =	sadd.s32 s3, s5;
	[dreg:$0x0] =	wrdreg $0x0  }
0xa8: {  	s5 =	sshll.u32 s28, $0x1;
	[dreg:$0x2] =	wrdreg s3  }
0xa9: {  	[dreg:$0x3] =	wrdreg s5  }
0xaa: {  	[dreg:$0x4] =	wrdreg $0xC0  }
0xab: {  	_ =	task [dreg:s7], $0x5FFFF  }
0xac: {  	[dreg:$0x1] =	wrdreg $0xFFFFFFFF  }
0xad: {  	[dreg:$0x0] =	wrdreg $0x60  }
0xae: {  	[dreg:$0x2] =	wrdreg s24  }
0xaf: {  	[dreg:$0x3] =	wrdreg s2  }
0xb0: {  	[dreg:$0x4] =	wrdreg $0x9  }
0xb1: {  	_ =	task.clear_ibuf [dreg:s7], $0x5FFFF;
	_ =	strace $0x90000046  }
0xb2: {  	s29 =	simm.s32 $0x9;
	_ =	strace $0x80000048  }
0xb3: {  	_ =	swait.ge [sflag:s29], $0x1  }
0xb4: {  	[sflag:s29] =	ssyncadd.s32 $0xFFFFFFFF  }
0xb5: {  	_ =	strace $0x90000048  }
0xb6: {  	_ =	sfence  }
0xb7: {  	s30 =	sld [smem:$0x0];
	_ =	sdelay $0x2  }
0xb8: {  	s31 =	sshll.u32 s1, $0xD;
	s1 =	sshrl.u32 s1, $0x2  }
0xb9: {  	s3 =	sand.u32 $0x4000, s31;
	s1 =	sadd.s32 s1, s30  }
0xba: {  	s0 =	sor.u32 s3, s0;
	s1 =	sshll.u32 s1, $0x11  }
0xbb: {  	s0 =	sor.u32 s1, s0  }
0xbc: {  	s0 =	sadd.s32 $0x8F2B, s0  }
0xbd: {  	[sflag:s0] =	ssyncadd.remote.s32 $0x1  }
0xbe: {  	_ =	sfence.sel $0xFFFF  }
0xbf: {  	[dreg:$0x0] =	wrdreg $0xFFFFFFFF;
	(pc) =	sbr.abs _section_cstart, $3  }
0xc0: {  	[dreg:$0x1] =	wrdreg $0xFFFFFFFF  }
0xc1: {  	_ =	task.clear_ibuf [dreg:s7], $0x2FFFF;
	_ =	strace $0x9FFFFFFF  }
0xc2: {  	(tm) =	ssettm $0x7FFFFFFF  }
0xc3: {  	_ =	shalt  }
tec
execute0_lowered:
.L_overlay_start_1:
0x0: {  	(tag) =	ssettag $0x1  }
0x1: {  	s3 =	rddreg [dreg:$0x0]  }
0x2: {  	s1 =	srdreg.scid;
	s0 =	stileid.u32  }
0x3: {  	s5 =	rddreg [dreg:$0x1];
	s2 =	simm.s32 $0x0;
	s9 =	simm.s32 $0xD00  }
0x4: {  	s10 =	simm.s32 $0x1A00;
	s11 =	simm.s32 $0x1040;
	s12 =	simm.s32 $0x4E00  }
0x5: {  	s13 =	simm.s32 $0x1380;
	s14 =	simm.s32 $0x8200;
	s15 =	simm.s32 $0x16C0  }
0x6: {  	s16 =	simm.s32 $0xB600;
	s17 =	simm.s32 $0x1;
	s18 =	simm.s32 $0xEA00  }
0x7: {  	s19 =	simm.s32 $0x2;
	s20 =	simm.s32 $0x3;
	s21 =	simm.s32 $0x4  }
0x8: {  	v0 =	vlaneseq.u32;
	s22 =	simm.s32 $0x0;
	s4 =	sand.u32 $0x1, s1;
	s6 =	sshll.u32 s0, $0x1  }
0x9: {  	[smem:$0x7FF] =	sst s2;
	v0 =	vmul.u32 $0x88, v0;
	s6 =	sor.u32 s4, s6;
	s4 =	ssub.s32 $0x2, s4  }
0xa: {  	v8 =	vimm.s32 $0x0;
	vm0 =	vcmask $0x300;
	s7 =	smul.u32 $0x1A0, s6;
	s8 =	sshrl.u32 s4, $0x1;
	s6 =	sshll.u32 s6, $0x7  }
0xb: {  	v8 =	vsel vm0, $0x3, v8;
	_ =	strace $0x80000047;
	v1 =	vor.u32 $0x1, v0;
	s8 =	ssub.s32 s4, s8;
	s5 =	sadd.s32 s5, s6  }
0xc: {  	v2 =	vor.u32 $0x2, v0;
	v3 =	vor.u32 $0x3, v0;
	v4 =	vor.u32 $0x4, v0;
	s7 =	sadd.s32 s7, s3;
	s3 =	sadd.s32 $0x3A00, s3;
	s6 =	smax.u32 s8, $0x1  }
0xd: {  	v5 =	vor.u32 $0x5, v0;
	v6 =	vor.u32 $0x6, v0;
	v7 =	vor.u32 $0x7, v0;
	s8 =	simm.s32 $0x340;
	s4 =	sadd.s32 $0x600, s7;
	s7 =	simm.s32 $0x5  }
.LBB2_1:
0xe: {  	[tilespmem:s2], [sflag:$0x5] =	stream.linear.gather [hbm4b:s4+s2], $0xD00, $0x38;
	[tilespmem:$0x1C700] =	vst v63  }
0xf: {  	_ =	swait.ge [sflag:s7], $0xD00  }
0x10: {  	[sflag:s7] =	ssyncset.done $0x0  }
0x11: {  	s23 =	simm.s32 $0x20;
	[sflag:s7] =	ssyncadd.s32 $0xFFFFF300  }
0x12: {  	v12 =	vld [tilespmem:s23+$0x10]  }
0x13: {  	v9 =	vld [tilespmem:s23+$0xFFFFFFF0]  }
0x14: {  	v10 =	vld [tilespmem:s23+$0x0]  }
0x15: {  	v11 =	vld [tilespmem:s23+$0xFFFFFFE0];
	_ =	sdelay $0x1  }
0x16: {  	v13 =	vshll.u32 v12, $0x3  }
0x17: {  	v14 =	vand.u32 $0xFFFF0000, v12;
	v12 =	vshrl.u32 v12, $0xD;
	v13 =	vand.u32 $0xFFF8, v13  }
0x18: {  	v15 =	vshll.u32 v9, $0x3;
	v12 =	vand.u32 $0x7, v12;
	v13 =	vor.u32 v14, v13  }
0x19: {  	s23 =	simm.s32 $0xD20;
	v16 =	vshll.u32 v10, $0x3;
	v14 =	vshll.u32 v11, $0x3;
	v17 =	vor.u32 v12, v13  }
0x1a: {  	s24 =	simm.s32 $0x0;
	s25 =	simm.s32 $0x60;
	v14 =	vand.u32 $0xFFF8, v14;
	v13 =	vand.u32 $0xFFF8, v15;
	v12 =	vand.u32 $0xFFF8, v16;
	[tilespmem:s23+$0x10] =	vst v17  }
.LBB2_2:
0x1b: {  	v15 =	vld [tilespmem:s25+$0x10];
	s24 =	sadd.s32 $0x4, s24;
	v16 =	vand.u32 $0xFFFF0000, v11;
	v17 =	vshrl.u32 v11, $0xD;
	v11 =	vand.u32 $0xFFFF0000, v9  }
0x1c: {  	v18 =	vshrl.u32 v9, $0xD;
	v19 =	vand.u32 $0xFFFF0000, v10;
	v20 =	vshrl.u32 v10, $0xD;
	p0 =	slt.u32 s24, $0x30;
	v9 =	vld [tilespmem:s25+$0xFFFFFFF0]  }
0x1d: {  	v14 =	vor.u32 v16, v14;
	v13 =	vor.u32 v11, v13;
	v12 =	vor.u32 v19, v12;
	v10 =	vld [tilespmem:s25+$0x0]  }
0x1e: {  	v16 =	vand.u32 $0x7, v17;
	v17 =	vand.u32 $0x7, v18;
	v18 =	vand.u32 $0x7, v20;
	v11 =	vld [tilespmem:s25+$0xFFFFFFE0]  }
0x1f: {  	v14 =	vor.u32 v16, v14;
	v13 =	vor.u32 v17, v13;
	v12 =	vor.u32 v18, v12  }
.Ltmp0:
0x20: {  	v16 =	vshll.u32 v15, $0x3;
	[tilespmem:s23+$0xFFFFFFE0] =	vst v14;
	(pc) =	sbr.rel @p0 .LBB2_2-.Ltmp0, $4  }
0x21: {  	v14 =	vand.u32 $0xFFFF0000, v15;
	v15 =	vshrl.u32 v15, $0xD;
	v16 =	vand.u32 $0xFFF8, v16;
	[tilespmem:s23+$0xFFFFFFF0] =	vst v13  }
0x22: {  	v13 =	vshll.u32 v9, $0x3;
	v15 =	vand.u32 $0x7, v15;
	v14 =	vor.u32 v14, v16;
	[tilespmem:s23+$0x0] =	vst v12  }
0x23: {  	v16 =	vshll.u32 v10, $0x3;
	s23 =	sadd.s32 $0x40, s23;
	v12 =	vshll.u32 v11, $0x3;
	v15 =	vor.u32 v15, v14  }
0x24: {  	s25 =	sadd.s32 $0x40, s25;
	v13 =	vand.u32 $0xFFF8, v13;
	v14 =	vand.u32 $0xFFF8, v12;
	v12 =	vand.u32 $0xFFF8, v16;
	[tilespmem:s23+$0x10] =	vst v15  }
0x25: {  	v15 =	vand.u32 $0xFFFF0000, v11;
	v11 =	vshrl.u32 v11, $0xD  }
0x26: {  	v16 =	vand.u32 $0xFFFF0000, v9;
	v9 =	vshrl.u32 v9, $0xD;
	v17 =	vand.u32 $0xFFFF0000, v10  }
0x27: {  	v10 =	vshrl.u32 v10, $0xD;
	v14 =	vor.u32 v15, v14;
	v11 =	vand.u32 $0x7, v11  }
0x28: {  	v13 =	vor.u32 v16, v13;
	v9 =	vand.u32 $0x7, v9;
	v11 =	vor.u32 v11, v14  }
0x29: {  	v12 =	vor.u32 v17, v12;
	v10 =	vand.u32 $0x7, v10;
	v9 =	vor.u32 v9, v13;
	[tilespmem:s23+$0xFFFFFFE0] =	vst v11  }
0x2a: {  	v10 =	vor.u32 v10, v12;
	[tilespmem:s23+$0xFFFFFFF0] =	vst v9  }
0x2b: {  	s31 =	simm.s32 $0x370;
	[tilespmem:s23+$0x0] =	vst v10  }
0x2c: {  	[tilespmem:s10], [sflag:$0x1] =	stream.indirect.gather [hbm4b:s3+s8], $0x10, s9, s8, $0xb8;
	[tilespmem:$0x1C700] =	vst v63  }
0x2d: {  	v12 =	vld [tilespmem:s31+$0x0]  }
0x2e: {  	v9 =	vld [tilespmem:s31+$0xFFFFFFE0]  }
0x2f: {  	v10 =	vld [tilespmem:s31+$0xFFFFFFF0]  }
0x30: {  	v11 =	vld [tilespmem:s31+$0xFFFFFFD0];
	_ =	sdelay $0x1  }
0x31: {  	v13 =	vshll.u32 v12, $0x3  }
0x32: {  	v14 =	vand.u32 $0xFFFF0000, v12;
	v12 =	vshrl.u32 v12, $0xD;
	v13 =	vand.u32 $0xFFF8, v13  }
0x33: {  	v15 =	vshll.u32 v9, $0x3;
	v12 =	vand.u32 $0x7, v12;
	v13 =	vor.u32 v14, v13  }
0x34: {  	s23 =	simm.s32 $0x1060;
	v62 =	vshll.u32 v10, $0x3;
	v14 =	vshll.u32 v11, $0x3;
	v63 =	vor.u32 v12, v13  }
0x35: {  	s24 =	simm.s32 $0x0;
	s25 =	simm.s32 $0x3B0;
	v14 =	vand.u32 $0xFFF8, v14;
	v13 =	vand.u32 $0xFFF8, v15;
	v12 =	vand.u32 $0xFFF8, v62;
	[tilespmem:s23+$0x10] =	vst v63  }
.LBB2_4:
0x36: {  	v15 =	vld [tilespmem:s25+$0x0];
	s24 =	sadd.s32 $0x4, s24;
	v16 =	vand.u32 $0xFFFF0000, v11;
	v17 =	vshrl.u32 v11, $0xD;
	v11 =	vand.u32 $0xFFFF0000, v9  }
0x37: {  	v18 =	vshrl.u32 v9, $0xD;
	v19 =	vand.u32 $0xFFFF0000, v10;
	v20 =	vshrl.u32 v10, $0xD;
	p0 =	slt.u32 s24, $0x30;
	v9 =	vld [tilespmem:s25+$0xFFFFFFE0]  }
0x38: {  	v14 =	vor.u32 v16, v14;
	v13 =	vor.u32 v11, v13;
	v12 =	vor.u32 v19, v12;
	v10 =	vld [tilespmem:s25+$0xFFFFFFF0]  }
0x39: {  	v16 =	vand.u32 $0x7, v17;
	v17 =	vand.u32 $0x7, v18;
	v18 =	vand.u32 $0x7, v20;
	v11 =	vld [tilespmem:s25+$0xFFFFFFD0]  }
0x3a: {  	v14 =	vor.u32 v16, v14;
	v13 =	vor.u32 v17, v13;
	v12 =	vor.u32 v18, v12  }
.Ltmp1:
0x3b: {  	v16 =	vshll.u32 v15, $0x3;
	[tilespmem:s23+$0xFFFFFFE0] =	vst v14;
	(pc) =	sbr.rel @p0 .LBB2_4-.Ltmp1, $4  }
0x3c: {  	v14 =	vand.u32 $0xFFFF0000, v15;
	v15 =	vshrl.u32 v15, $0xD;
	v16 =	vand.u32 $0xFFF8, v16;
	[tilespmem:s23+$0xFFFFFFF0] =	vst v13  }
0x3d: {  	v13 =	vshll.u32 v9, $0x3;
	v15 =	vand.u32 $0x7, v15;
	v14 =	vor.u32 v14, v16;
	[tilespmem:s23+$0x0] =	vst v12  }
0x3e: {  	v16 =	vshll.u32 v10, $0x3;
	s23 =	sadd.s32 $0x40, s23;
	v12 =	vshll.u32 v11, $0x3;
	v15 =	vor.u32 v15, v14  }
0x3f: {  	s25 =	sadd.s32 $0x40, s25;
	v13 =	vand.u32 $0xFFF8, v13;
	v14 =	vand.u32 $0xFFF8, v12;
	v12 =	vand.u32 $0xFFF8, v16;
	[tilespmem:s23+$0x10] =	vst v15  }
0x40: {  	v15 =	vand.u32 $0xFFFF0000, v11;
	v11 =	vshrl.u32 v11, $0xD  }
0x41: {  	v16 =	vand.u32 $0xFFFF0000, v9;
	v9 =	vshrl.u32 v9, $0xD;
	v17 =	vand.u32 $0xFFFF0000, v10  }
0x42: {  	v10 =	vshrl.u32 v10, $0xD;
	v14 =	vor.u32 v15, v14;
	v11 =	vand.u32 $0x7, v11  }
0x43: {  	v13 =	vor.u32 v16, v13;
	v9 =	vand.u32 $0x7, v9;
	v11 =	vor.u32 v11, v14  }
0x44: {  	v12 =	vor.u32 v17, v12;
	v10 =	vand.u32 $0x7, v10;
	v9 =	vor.u32 v9, v13;
	[tilespmem:s23+$0xFFFFFFE0] =	vst v11  }
0x45: {  	v10 =	vor.u32 v10, v12;
	[tilespmem:s23+$0xFFFFFFF0] =	vst v9  }
0x46: {  	s31 =	simm.s32 $0x6B0;
	[tilespmem:s23+$0x0] =	vst v10  }
0x47: {  	[tilespmem:s12], [sflag:$0x2] =	stream.indirect.gather [hbm4b:s3+s8], $0x10, s11, s8, $0xb8;
	[tilespmem:$0x1C700] =	vst v63  }
0x48: {  	v12 =	vld [tilespmem:s31+$0x0]  }
0x49: {  	v9 =	vld [tilespmem:s31+$0xFFFFFFE0]  }
0x4a: {  	v10 =	vld [tilespmem:s31+$0xFFFFFFF0]  }
0x4b: {  	v11 =	vld [tilespmem:s31+$0xFFFFFFD0];
	_ =	sdelay $0x1  }
0x4c: {  	v13 =	vshll.u32 v12, $0x3  }
0x4d: {  	v14 =	vand.u32 $0xFFFF0000, v12;
	v12 =	vshrl.u32 v12, $0xD;
	v13 =	vand.u32 $0xFFF8, v13  }
0x4e: {  	v15 =	vshll.u32 v9, $0x3;
	v12 =	vand.u32 $0x7, v12;
	v13 =	vor.u32 v14, v13  }
0x4f: {  	s23 =	simm.s32 $0x13A0;
	v62 =	vshll.u32 v10, $0x3;
	v14 =	vshll.u32 v11, $0x3;
	v63 =	vor.u32 v12, v13  }
0x50: {  	s24 =	simm.s32 $0x0;
	s25 =	simm.s32 $0x6F0;
	v14 =	vand.u32 $0xFFF8, v14;
	v13 =	vand.u32 $0xFFF8, v15;
	v12 =	vand.u32 $0xFFF8, v62;
	[tilespmem:s23+$0x10] =	vst v63  }
.LBB2_6:
0x51: {  	v15 =	vld [tilespmem:s25+$0x0];
	s24 =	sadd.s32 $0x4, s24;
	v16 =	vand.u32 $0xFFFF0000, v11;
	v17 =	vshrl.u32 v11, $0xD;
	v11 =	vand.u32 $0xFFFF0000, v9  }
0x52: {  	v18 =	vshrl.u32 v9, $0xD;
	v19 =	vand.u32 $0xFFFF0000, v10;
	v20 =	vshrl.u32 v10, $0xD;
	p0 =	slt.u32 s24, $0x30;
	v9 =	vld [tilespmem:s25+$0xFFFFFFE0]  }
0x53: {  	v14 =	vor.u32 v16, v14;
	v13 =	vor.u32 v11, v13;
	v12 =	vor.u32 v19, v12;
	v10 =	vld [tilespmem:s25+$0xFFFFFFF0]  }
0x54: {  	v16 =	vand.u32 $0x7, v17;
	v17 =	vand.u32 $0x7, v18;
	v18 =	vand.u32 $0x7, v20;
	v11 =	vld [tilespmem:s25+$0xFFFFFFD0]  }
0x55: {  	v14 =	vor.u32 v16, v14;
	v13 =	vor.u32 v17, v13;
	v12 =	vor.u32 v18, v12  }
.Ltmp2:
0x56: {  	v16 =	vshll.u32 v15, $0x3;
	[tilespmem:s23+$0xFFFFFFE0] =	vst v14;
	(pc) =	sbr.rel @p0 .LBB2_6-.Ltmp2, $4  }
0x57: {  	v14 =	vand.u32 $0xFFFF0000, v15;
	v15 =	vshrl.u32 v15, $0xD;
	v16 =	vand.u32 $0xFFF8, v16;
	[tilespmem:s23+$0xFFFFFFF0] =	vst v13  }
0x58: {  	v13 =	vshll.u32 v9, $0x3;
	v15 =	vand.u32 $0x7, v15;
	v14 =	vor.u32 v14, v16;
	[tilespmem:s23+$0x0] =	vst v12  }
0x59: {  	v16 =	vshll.u32 v10, $0x3;
	s23 =	sadd.s32 $0x40, s23;
	v12 =	vshll.u32 v11, $0x3;
	v15 =	vor.u32 v15, v14  }
0x5a: {  	s25 =	sadd.s32 $0x40, s25;
	v13 =	vand.u32 $0xFFF8, v13;
	v14 =	vand.u32 $0xFFF8, v12;
	v12 =	vand.u32 $0xFFF8, v16;
	[tilespmem:s23+$0x10] =	vst v15  }
0x5b: {  	v15 =	vand.u32 $0xFFFF0000, v11;
	v11 =	vshrl.u32 v11, $0xD  }
0x5c: {  	v16 =	vand.u32 $0xFFFF0000, v9;
	v9 =	vshrl.u32 v9, $0xD;
	v17 =	vand.u32 $0xFFFF0000, v10  }
0x5d: {  	v10 =	vshrl.u32 v10, $0xD;
	v14 =	vor.u32 v15, v14;
	v11 =	vand.u32 $0x7, v11  }
0x5e: {  	v13 =	vor.u32 v16, v13;
	v9 =	vand.u32 $0x7, v9;
	v11 =	vor.u32 v11, v14  }
0x5f: {  	v12 =	vor.u32 v17, v12;
	v10 =	vand.u32 $0x7, v10;
	v9 =	vor.u32 v9, v13;
	[tilespmem:s23+$0xFFFFFFE0] =	vst v11  }
0x60: {  	v10 =	vor.u32 v10, v12;
	[tilespmem:s23+$0xFFFFFFF0] =	vst v9  }
0x61: {  	s31 =	simm.s32 $0x9F0;
	[tilespmem:s23+$0x0] =	vst v10  }
0x62: {  	[tilespmem:s14], [sflag:$0x3] =	stream.indirect.gather [hbm4b:s3+s8], $0x10, s13, s8, $0xb8;
	[tilespmem:$0x1C700] =	vst v63  }
0x63: {  	v12 =	vld [tilespmem:s31+$0x0]  }
0x64: {  	v9 =	vld [tilespmem:s31+$0xFFFFFFE0]  }
0x65: {  	v10 =	vld [tilespmem:s31+$0xFFFFFFF0]  }
0x66: {  	v11 =	vld [tilespmem:s31+$0xFFFFFFD0];
	_ =	sdelay $0x1  }
0x67: {  	v13 =	vshll.u32 v12, $0x3  }
0x68: {  	v14 =	vand.u32 $0xFFFF0000, v12;
	v12 =	vshrl.u32 v12, $0xD;
	v13 =	vand.u32 $0xFFF8, v13  }
0x69: {  	v15 =	vshll.u32 v9, $0x3;
	v12 =	vand.u32 $0x7, v12;
	v13 =	vor.u32 v14, v13  }
0x6a: {  	s23 =	simm.s32 $0x16E0;
	v62 =	vshll.u32 v10, $0x3;
	v14 =	vshll.u32 v11, $0x3;
	v63 =	vor.u32 v12, v13  }
0x6b: {  	s24 =	simm.s32 $0x0;
	s25 =	simm.s32 $0xA30;
	v14 =	vand.u32 $0xFFF8, v14;
	v13 =	vand.u32 $0xFFF8, v15;
	v12 =	vand.u32 $0xFFF8, v62;
	[tilespmem:s23+$0x10] =	vst v63  }
.LBB2_8:
0x6c: {  	v15 =	vld [tilespmem:s25+$0x0];
	s24 =	sadd.s32 $0x4, s24;
	v16 =	vand.u32 $0xFFFF0000, v11;
	v17 =	vshrl.u32 v11, $0xD;
	v11 =	vand.u32 $0xFFFF0000, v9  }
0x6d: {  	v18 =	vshrl.u32 v9, $0xD;
	v19 =	vand.u32 $0xFFFF0000, v10;
	v20 =	vshrl.u32 v10, $0xD;
	p0 =	slt.u32 s24, $0x30;
	v9 =	vld [tilespmem:s25+$0xFFFFFFE0]  }
0x6e: {  	v14 =	vor.u32 v16, v14;
	v13 =	vor.u32 v11, v13;
	v12 =	vor.u32 v19, v12;
	v10 =	vld [tilespmem:s25+$0xFFFFFFF0]  }
0x6f: {  	v16 =	vand.u32 $0x7, v17;
	v17 =	vand.u32 $0x7, v18;
	v18 =	vand.u32 $0x7, v20;
	v11 =	vld [tilespmem:s25+$0xFFFFFFD0]  }
0x70: {  	v14 =	vor.u32 v16, v14;
	v13 =	vor.u32 v17, v13;
	v12 =	vor.u32 v18, v12  }
.Ltmp3:
0x71: {  	v16 =	vshll.u32 v15, $0x3;
	[tilespmem:s23+$0xFFFFFFE0] =	vst v14;
	(pc) =	sbr.rel @p0 .LBB2_8-.Ltmp3, $4  }
0x72: {  	v14 =	vand.u32 $0xFFFF0000, v15;
	v15 =	vshrl.u32 v15, $0xD;
	v16 =	vand.u32 $0xFFF8, v16;
	[tilespmem:s23+$0xFFFFFFF0] =	vst v13  }
0x73: {  	v13 =	vshll.u32 v9, $0x3;
	v15 =	vand.u32 $0x7, v15;
	v14 =	vor.u32 v14, v16;
	[tilespmem:s23+$0x0] =	vst v12  }
0x74: {  	v16 =	vshll.u32 v10, $0x3;
	s23 =	sadd.s32 $0x40, s23;
	v12 =	vshll.u32 v11, $0x3;
	v15 =	vor.u32 v15, v14  }
0x75: {  	s25 =	sadd.s32 $0x40, s25;
	v13 =	vand.u32 $0xFFF8, v13;
	v14 =	vand.u32 $0xFFF8, v12;
	v12 =	vand.u32 $0xFFF8, v16;
	[tilespmem:s23+$0x10] =	vst v15  }
0x76: {  	v15 =	vand.u32 $0xFFFF0000, v11;
	v11 =	vshrl.u32 v11, $0xD  }
0x77: {  	v16 =	vand.u32 $0xFFFF0000, v9;
	v9 =	vshrl.u32 v9, $0xD;
	v17 =	vand.u32 $0xFFFF0000, v10  }
0x78: {  	v10 =	vshrl.u32 v10, $0xD;
	v14 =	vor.u32 v15, v14;
	v11 =	vand.u32 $0x7, v11  }
0x79: {  	v13 =	vor.u32 v16, v13;
	v9 =	vand.u32 $0x7, v9;
	v11 =	vor.u32 v11, v14  }
0x7a: {  	v12 =	vor.u32 v17, v12;
	v10 =	vand.u32 $0x7, v10;
	v9 =	vor.u32 v9, v13;
	[tilespmem:s23+$0xFFFFFFE0] =	vst v11  }
0x7b: {  	v10 =	vor.u32 v10, v12;
	[tilespmem:s23+$0xFFFFFFF0] =	vst v9  }
0x7c: {  	[tilespmem:s23+$0x0] =	vst v10  }
0x7d: {  	[tilespmem:s16], [sflag:$0x4] =	stream.indirect.gather [hbm4b:s3+s8], $0x10, s15, s8, $0xb8;
	[tilespmem:$0x1C700] =	vst v63  }
0x7e: {  	_ =	swait.ge [sflag:s17], $0x3400  }
0x7f: {  	s24 =	simm.s32 $0x2080;
	[sflag:s17] =	ssyncset.done $0x0  }
0x80: {  	s25 =	simm.s32 $0x0;
	s23 =	simm.s32 $0x0;
	v9 =	vimm.s32 $0x0;
	[sflag:s17] =	ssyncadd.s32 $0xFFFFCC00  }
.LBB2_10:
0x81: {  	v17 =	vmul.u32 $0x880, v9;
	v18 =	vmov s23;
	s26 =	simm.s32 $0x1;
	s28 =	simm.s32 $0x2  }
0x82: {  	s29 =	simm.s32 $0x3;
	s1 =	simm.s32 $0x4;
	s30 =	simm.s32 $0x5;
	v18 =	vshrl.u32 v18, $0x3;
	v19 =	vmov s26;
	v20 =	vmov s28  }
0x83: {  	v21 =	vmov s29;
	v22 =	vmov s1;
	v23 =	vmov s30  }
0x84: {  	v10 =	vadd.s32 v0, v17;
	v15 =	vadd.s32 v1, v17;
	v14 =	vadd.s32 v2, v17  }
0x85: {  	s28 =	simm.s32 $0x7;
	s1 =	simm.s32 $0x6;
	v13 =	vadd.s32 v3, v17;
	v12 =	vadd.s32 v4, v17;
	v11 =	vadd.s32 v5, v17  }
0x86: {  	v16 =	vadd.s32 v7, v17;
	v24 =	vmov s28;
	v25 =	vmov s1  }
0x87: {  	v19 =	vshrl.u32 v19, $0x3;
	v20 =	vshrl.u32 v20, $0x3;
	v21 =	vshrl.u32 v21, $0x3  }
0x88: {  	v22 =	vshrl.u32 v22, $0x3;
	v24 =	vshrl.u32 v24, $0x3;
	v19 =	vshll.u32 v19, v8  }
0x89: {  	v23 =	vshrl.u32 v23, $0x3;
	v24 =	vshll.u32 v24, v8;
	v19 =	vbroadcast v19, $0x0  }
0x8a: {  	v20 =	vshll.u32 v20, v8;
	v21 =	vshll.u32 v21, v8;
	v24 =	vbroadcast v24, $0x0  }
0x8b: {  	v27 =	vld [tilespmem:s24+$0xFFFFFB20];
	v20 =	vbroadcast v20, $0x0;
	v28 =	vadd.s32 v15, v19;
	v19 =	vbroadcast v21, $0x0  }
0x8c: {  	v26 =	vld [tilespmem:s24+$0x4E0];
	v21 =	vshll.u32 v22, v8;
	v22 =	vshrl.u32 v25, $0x3;
	v24 =	vadd.s32 v16, v24  }
0x8d: {  	v29 =	vld [tilespmem:s24+$0xFFFFFCC0];
	v30 =	vadd.s32 v14, v20;
	v20 =	vbroadcast v21, $0x0;
	v21 =	vshll.u32 v23, v8  }
0x8e: {  	v31 =	vld [tilespmem:s24+$0xFFFFFE60];
	v22 =	vshll.u32 v22, v8;
	v32 =	vadd.s32 v13, v19;
	v21 =	vbroadcast v21, $0x0  }
0x8f: {  	v18 =	vshll.u32 v18, v8;
	v19 =	vld [tilespmem:s24+$0x0];
	v25 =	vbroadcast v22, $0x0;
	v22 =	vadd.s32 v12, v20  }
0x90: {  	v17 =	vadd.s32 v6, v17;
	s1 =	simm.s32 $0x8;
	v33 =	vbroadcast v18, $0x0;
	v20 =	vld [tilespmem:s24+$0x1A0];
	v21 =	vadd.s32 v11, v21;
	[tilespmem:v28+s18+$0x0] =	vst.idx.msk $0xffff, v27  }
0x91: {  	s31 =	simm.s32 $0xF;
	s30 =	simm.s32 $0xC;
	v18 =	vmov s1;
	s1 =	simm.s32 $0x9;
	v23 =	vld [tilespmem:s24+$0x340];
	[tilespmem:v24+s18+$0x0] =	vst.idx.msk $0xffff, v26;
	v24 =	vadd.s32 v17, v25  }
0x92: {  	s29 =	simm.s32 $0xD;
	s28 =	simm.s32 $0xA;
	v18 =	vshrl.u32 v18, $0x3;
	v27 =	vmov s1;
	s1 =	simm.s32 $0xB;
	[tilespmem:v30+s18+$0x0] =	vst.idx.msk $0xffff, v29;
	v25 =	vld [tilespmem:s24+$0xFFFFF980];
	v26 =	vadd.s32 v10, v33  }
0x93: {  	s26 =	smov.u32 s24;
	v30 =	vmov s28;
	v29 =	vmov s30;
	s30 =	simm.s32 $0xE;
	s28 =	simm.s32 $0x10;
	v28 =	vmov s1;
	[tilespmem:v32+s18+$0x0] =	vst.idx.msk $0xffff, v31  }
.LBB2_11:
0x94: {  	p0 =	slt.u32 s28, $0x18;
	v31 =	vmov s29;
	v32 =	vmov s30;
	v33 =	vmov s31;
	[tilespmem:v22+s18+$0x0] =	vst.idx.msk $0xffff, v19  }
0x95: {  	v19 =	vshrl.u32 v27, $0x3;
	v22 =	vshrl.u32 v30, $0x3;
	v27 =	vshrl.u32 v33, $0x3;
	[tilespmem:v21+s18+$0x0] =	vst.idx.msk $0xffff, v20  }
0x96: {  	v20 =	vshrl.u32 v28, $0x3;
	v21 =	vshrl.u32 v29, $0x3;
	v27 =	vshll.u32 v27, v8;
	[tilespmem:v24+s18+$0x0] =	vst.idx.msk $0xffff, v23  }
0x97: {  	v19 =	vshll.u32 v19, v8;
	v23 =	vshrl.u32 v31, $0x3;
	v24 =	vbroadcast v27, $0x0;
	[tilespmem:v26+s18+$0x0] =	vst.idx.msk $0xffff, v25  }
0x98: {  	s26 =	sadd.s32 $0xD00, s26;
	v22 =	vshll.u32 v22, v8;
	v19 =	vbroadcast v19, $0x0;
	v25 =	vshrl.u32 v32, $0x3  }
0x99: {  	v22 =	vbroadcast v22, $0x0;
	v20 =	vshll.u32 v20, v8;
	v26 =	vld [tilespmem:s26+$0x4E0];
	v24 =	vadd.s32 v16, v24  }
0x9a: {  	v28 =	vadd.s32 v15, v19;
	v19 =	vbroadcast v20, $0x0;
	v20 =	vshll.u32 v21, v8;
	v27 =	vld [tilespmem:s26+$0xFFFFFB20]  }
0x9b: {  	v30 =	vadd.s32 v14, v22;
	v21 =	vshll.u32 v23, v8;
	v20 =	vbroadcast v20, $0x0;
	v29 =	vld [tilespmem:s26+$0xFFFFFCC0]  }
0x9c: {  	v23 =	vshll.u32 v25, v8;
	v21 =	vbroadcast v21, $0x0;
	v32 =	vadd.s32 v13, v19;
	v31 =	vld [tilespmem:s26+$0xFFFFFE60]  }
.Ltmp4:
0x9d: {  	v18 =	vshll.u32 v18, v8;
	v25 =	vbroadcast v23, $0x0;
	v22 =	vadd.s32 v12, v20;
	v19 =	vld [tilespmem:s26+$0x0];
	(pc) =	sbr.rel @p0 .LBB2_11-.Ltmp4, $4  }
0x9e: {  	v33 =	vbroadcast v18, $0x0;
	v21 =	vadd.s32 v11, v21;
	v20 =	vld [tilespmem:s26+$0x1A0];
	[tilespmem:v24+s18+$0x0] =	vst.idx.msk $0xffff, v26  }
0x9f: {  	s29 =	sadd.s32 $0x1, s28;
	s30 =	sadd.s32 $0x2, s28;
	v18 =	vmov s28;
	v24 =	vadd.s32 v17, v25;
	[tilespmem:v28+s18+$0x0] =	vst.idx.msk $0xffff, v27;
	v23 =	vld [tilespmem:s26+$0x340]  }
0xa0: {  	s31 =	sadd.s32 $0x3, s28;
	s1 =	sadd.s32 $0x4, s28;
	v18 =	vshrl.u32 v18, $0x3;
	v26 =	vadd.s32 v10, v33;
	v27 =	vmov s29;
	s29 =	sadd.s32 $0x5, s28;
	v25 =	vld [tilespmem:s26+$0xFFFFF980];
	[tilespmem:v30+s18+$0x0] =	vst.idx.msk $0xffff, v29  }
0xa1: {  	v28 =	vmov s31;
	s31 =	sadd.s32 $0x7, s28;
	v30 =	vmov s30;
	v29 =	vmov s1;
	s30 =	sadd.s32 $0x6, s28;
	s28 =	sadd.s32 $0x8, s28;
	[tilespmem:v32+s18+$0x0] =	vst.idx.msk $0xffff, v31  }
0xa2: {  	v31 =	vmov s29;
	v32 =	vmov s30;
	v33 =	vmov s31  }
0xa3: {  	v27 =	vshrl.u32 v27, $0x3;
	v30 =	vshrl.u32 v30, $0x3;
	v28 =	vshrl.u32 v28, $0x3  }
0xa4: {  	v29 =	vshrl.u32 v29, $0x3;
	v18 =	vshll.u32 v18, v8;
	v33 =	vshrl.u32 v33, $0x3  }
0xa5: {  	v27 =	vshll.u32 v27, v8;
	v31 =	vshrl.u32 v31, $0x3;
	v18 =	vbroadcast v18, $0x0  }
0xa6: {  	s1 =	sadd.s32 $0xD00, s26;
	v30 =	vshll.u32 v30, v8;
	v32 =	vshrl.u32 v32, $0x3;
	v27 =	vbroadcast v27, $0x0  }
0xa7: {  	v28 =	vshll.u32 v28, v8;
	v63 =	vld [tilespmem:s1+$0xFFFFF980];
	v30 =	vbroadcast v30, $0x0;
	v10 =	vadd.s32 v10, v18  }
0xa8: {  	[tilespmem:v22+s18+$0x0] =	vst.idx.msk $0xffff, v19;
	v49 =	vld [tilespmem:s1+$0xFFFFFB20];
	v51 =	vshll.u32 v29, v8;
	v50 =	vbroadcast v28, $0x0;
	v15 =	vadd.s32 v15, v27  }
0xa9: {  	[tilespmem:v21+s18+$0x0] =	vst.idx.msk $0xffff, v20;
	v52 =	vld [tilespmem:s1+$0xFFFFFCC0];
	v33 =	vshll.u32 v33, v8;
	v53 =	vbroadcast v51, $0x0;
	v14 =	vadd.s32 v14, v30  }
0xaa: {  	v55 =	vld [tilespmem:s1+$0xFFFFFE60];
	v54 =	vshll.u32 v31, v8;
	[tilespmem:v24+s18+$0x0] =	vst.idx.msk $0xffff, v23;
	v33 =	vbroadcast v33, $0x0;
	v13 =	vadd.s32 v13, v50  }
0xab: {  	v58 =	vld [tilespmem:s1+$0x0];
	v57 =	vshll.u32 v32, v8;
	v56 =	vbroadcast v54, $0x0;
	[tilespmem:v26+s18+$0x0] =	vst.idx.msk $0xffff, v25;
	v12 =	vadd.s32 v12, v53  }
0xac: {  	v48 =	vld [tilespmem:s1+$0x4E0];
	v59 =	vbroadcast v57, $0x0;
	v16 =	vadd.s32 v16, v33;
	[tilespmem:v10+s18+$0x0] =	vst.idx.msk $0xffff, v63  }
0xad: {  	s25 =	sadd.s32 $0x1, s25;
	v60 =	vld [tilespmem:s1+$0x1A0];
	v11 =	vadd.s32 v11, v56;
	[tilespmem:v15+s18+$0x0] =	vst.idx.msk $0xffff, v49  }
0xae: {  	v61 =	vld [tilespmem:s1+$0x340];
	p0 =	sne.s32 s25, $0x1A;
	v62 =	vadd.s32 v17, v59;
	[tilespmem:v14+s18+$0x0] =	vst.idx.msk $0xffff, v52  }
.Ltmp5:
0xaf: {  	[tilespmem:v13+s18+$0x0] =	vst.idx.msk $0xffff, v55;
	(pc) =	sbr.rel @p0 .LBB2_10-.Ltmp5, $4  }
0xb0: {  	[tilespmem:v12+s18+$0x0] =	vst.idx.msk $0xffff, v58  }
0xb1: {  	[tilespmem:v16+s18+$0x0] =	vst.idx.msk $0xffff, v48  }
0xb2: {  	[tilespmem:v11+s18+$0x0] =	vst.idx.msk $0xffff, v60  }
0xb3: {  	v9 =	vadd.s32 $0x1, v9;
	s24 =	sadd.s32 $0x10, s24;
	[tilespmem:v62+s18+$0x0] =	vst.idx.msk $0xffff, v61  }
0xb4: {  	_ =	swait.ge [sflag:s19], $0x3400  }
0xb5: {  	s23 =	simm.s32 $0x0;
	[sflag:s19] =	ssyncset.done $0x0  }
0xb6: {  	v9 =	vimm.s32 $0x0;
	s24 =	simm.s32 $0x5480;
	s25 =	simm.s32 $0x0;
	[sflag:s19] =	ssyncadd.s32 $0xFFFFCC00  }
.LBB2_14:
0xb7: {  	v17 =	vmul.u32 $0x880, v9;
	v18 =	vmov s23;
	s1 =	simm.s32 $0x1;
	s26 =	simm.s32 $0x2  }
0xb8: {  	s28 =	simm.s32 $0x3;
	s30 =	simm.s32 $0x4;
	s31 =	simm.s32 $0x5;
	v18 =	vadd.s32 $0x20, v18;
	v19 =	vmov s1;
	v20 =	vmov s26  }
0xb9: {  	v21 =	vmov s28;
	v22 =	vmov s30;
	v23 =	vmov s31  }
0xba: {  	v10 =	vadd.s32 v0, v17;
	v16 =	vadd.s32 v1, v17;
	v15 =	vadd.s32 v2, v17  }
0xbb: {  	s28 =	simm.s32 $0x6;
	v14 =	vadd.s32 v3, v17;
	v13 =	vadd.s32 v4, v17;
	v12 =	vadd.s32 v5, v17  }
0xbc: {  	v11 =	vadd.s32 v6, v17;
	v17 =	vadd.s32 v7, v17;
	v24 =	vmov s28  }
0xbd: {  	s30 =	simm.s32 $0x7;
	v18 =	vshrl.u32 v18, $0x3;
	v19 =	vadd.s32 $0x20, v19;
	v20 =	vadd.s32 $0x20, v20  }
0xbe: {  	v21 =	vadd.s32 $0x20, v21;
	v22 =	vadd.s32 $0x20, v22;
	v25 =	vmov s30  }
0xbf: {  	v23 =	vadd.s32 $0x20, v23;
	v24 =	vadd.s32 $0x20, v24;
	v25 =	vadd.s32 $0x20, v25  }
0xc0: {  	v19 =	vshrl.u32 v19, $0x3;
	v20 =	vshrl.u32 v20, $0x3;
	v21 =	vshrl.u32 v21, $0x3  }
0xc1: {  	v22 =	vshrl.u32 v22, $0x3;
	v23 =	vshrl.u32 v23, $0x3;
	v19 =	vshll.u32 v19, v8  }
0xc2: {  	v25 =	vshrl.u32 v25, $0x3;
	v20 =	vshll.u32 v20, v8;
	v19 =	vbroadcast v19, $0x0  }
0xc3: {  	v24 =	vshrl.u32 v24, $0x3;
	v25 =	vshll.u32 v25, v8;
	v20 =	vbroadcast v20, $0x0  }
0xc4: {  	v27 =	vld [tilespmem:s24+$0xFFFFFB20];
	v21 =	vshll.u32 v21, v8;
	v25 =	vbroadcast v25, $0x0;
	v28 =	vadd.s32 v16, v19  }
0xc5: {  	v29 =	vld [tilespmem:s24+$0xFFFFFCC0];
	v19 =	vbroadcast v21, $0x0;
	v21 =	vshll.u32 v22, v8;
	v30 =	vadd.s32 v15, v20  }
0xc6: {  	v26 =	vld [tilespmem:s24+$0x4E0];
	v25 =	vadd.s32 v17, v25;
	v20 =	vbroadcast v21, $0x0;
	v21 =	vshll.u32 v23, v8  }
0xc7: {  	v31 =	vld [tilespmem:s24+$0xFFFFFE60];
	v32 =	vadd.s32 v14, v19;
	v19 =	vbroadcast v21, $0x0;
	v21 =	vshll.u32 v24, v8  }
0xc8: {  	v33 =	vld [tilespmem:s24+$0x0];
	s31 =	simm.s32 $0x8;
	v18 =	vshll.u32 v18, v8;
	v34 =	vadd.s32 v13, v20;
	v21 =	vbroadcast v21, $0x0  }
0xc9: {  	s26 =	simm.s32 $0x9;
	v18 =	vbroadcast v18, $0x0;
	v22 =	vmov s31;
	v20 =	vld [tilespmem:s24+$0x1A0];
	v19 =	vadd.s32 v12, v19;
	[tilespmem:v28+s18+$0x0] =	vst.idx.msk $0xffff, v27  }
0xca: {  	v36 =	vmov s26;
	s30 =	simm.s32 $0xA;
	v35 =	vadd.s32 $0x20, v22;
	v22 =	vadd.s32 v11, v21;
	v21 =	vld [tilespmem:s24+$0x340];
	[tilespmem:v30+s18+$0x0] =	vst.idx.msk $0xffff, v29  }
0xcb: {  	s28 =	simm.s32 $0xE;
	v37 =	vmov s30;
	s30 =	simm.s32 $0xC;
	s31 =	simm.s32 $0xB;
	v23 =	vadd.s32 v10, v18;
	v24 =	vld [tilespmem:s24+$0xFFFFF980];
	v18 =	vshrl.u32 v35, $0x3;
	[tilespmem:v25+s18+$0x0] =	vst.idx.msk $0xffff, v26  }
0xcc: {  	v30 =	vmov s30;
	v27 =	vmov s28;
	v25 =	vmov s31;
	s31 =	simm.s32 $0xD;
	[tilespmem:v32+s18+$0x0] =	vst.idx.msk $0xffff, v31  }
0xcd: {  	s29 =	simm.s32 $0xF;
	s26 =	smov.u32 s24;
	v28 =	vadd.s32 $0x20, v36;
	v29 =	vadd.s32 $0x20, v37;
	s28 =	simm.s32 $0x10;
	v26 =	vmov s31;
	[tilespmem:v34+s18+$0x0] =	vst.idx.msk $0xffff, v33  }
.LBB2_15:
0xce: {  	p0 =	slt.u32 s28, $0x18;
	v25 =	vadd.s32 $0x20, v25;
	v30 =	vadd.s32 $0x20, v30;
	v31 =	vmov s29;
	[tilespmem:v19+s18+$0x0] =	vst.idx.msk $0xffff, v20  }
0xcf: {  	v19 =	vadd.s32 $0x20, v26;
	v20 =	vadd.s32 $0x20, v27;
	v26 =	vadd.s32 $0x20, v31;
	[tilespmem:v22+s18+$0x0] =	vst.idx.msk $0xffff, v21  }
0xd0: {  	v21 =	vshrl.u32 v28, $0x3;
	v22 =	vshrl.u32 v29, $0x3;
	v26 =	vshrl.u32 v26, $0x3;
	[tilespmem:v23+s18+$0x0] =	vst.idx.msk $0xffff, v24  }
0xd1: {  	v23 =	vshrl.u32 v25, $0x3;
	v24 =	vshrl.u32 v30, $0x3;
	v25 =	vshll.u32 v26, v8  }
0xd2: {  	v19 =	vshrl.u32 v19, $0x3;
	v21 =	vshll.u32 v21, v8;
	v25 =	vbroadcast v25, $0x0  }
0xd3: {  	s26 =	sadd.s32 $0xD00, s26;
	v20 =	vshrl.u32 v20, $0x3;
	v22 =	vshll.u32 v22, v8;
	v21 =	vbroadcast v21, $0x0  }
0xd4: {  	v22 =	vbroadcast v22, $0x0;
	v23 =	vshll.u32 v23, v8;
	v26 =	vld [tilespmem:s26+$0x4E0];
	v25 =	vadd.s32 v17, v25  }
0xd5: {  	v24 =	vshll.u32 v24, v8;
	v23 =	vbroadcast v23, $0x0;
	v21 =	vadd.s32 v16, v21;
	v27 =	vld [tilespmem:s26+$0xFFFFFB20]  }
0xd6: {  	v19 =	vshll.u32 v19, v8;
	v29 =	vadd.s32 v15, v22;
	v22 =	vbroadcast v24, $0x0;
	v28 =	vld [tilespmem:s26+$0xFFFFFCC0]  }
0xd7: {  	v20 =	vshll.u32 v20, v8;
	v19 =	vbroadcast v19, $0x0;
	v32 =	vadd.s32 v14, v23;
	v31 =	vld [tilespmem:s26+$0xFFFFFE60]  }
0xd8: {  	v18 =	vshll.u32 v18, v8;
	v34 =	vadd.s32 v13, v22;
	v22 =	vbroadcast v20, $0x0;
	v33 =	vld [tilespmem:s26+$0x0]  }
.Ltmp6:
0xd9: {  	s1 =	sadd.s32 $0x1, s28;
	v18 =	vbroadcast v18, $0x0;
	v19 =	vadd.s32 v12, v19;
	v23 =	vmov s28;
	v20 =	vld [tilespmem:s26+$0x1A0];
	[tilespmem:v25+s18+$0x0] =	vst.idx.msk $0xffff, v26;
	(pc) =	sbr.rel @p0 .LBB2_15-.Ltmp6, $4  }
0xda: {  	s29 =	sadd.s32 $0x3, s28;
	v36 =	vmov s1;
	s1 =	sadd.s32 $0x2, s28;
	v35 =	vadd.s32 $0x20, v23;
	v22 =	vadd.s32 v11, v22;
	[tilespmem:v21+s18+$0x0] =	vst.idx.msk $0xffff, v27;
	v21 =	vld [tilespmem:s26+$0x340]  }
0xdb: {  	s30 =	sadd.s32 $0x6, s28;
	v37 =	vmov s1;
	s1 =	sadd.s32 $0x4, s28;
	v23 =	vadd.s32 v10, v18;
	v25 =	vmov s29;
	s29 =	sadd.s32 $0x5, s28;
	v24 =	vld [tilespmem:s26+$0xFFFFF980];
	[tilespmem:v29+s18+$0x0] =	vst.idx.msk $0xffff, v28  }
0xdc: {  	v30 =	vmov s1;
	v26 =	vmov s29;
	v27 =	vmov s30;
	[tilespmem:v32+s18+$0x0] =	vst.idx.msk $0xffff, v31  }
0xdd: {  	v18 =	vshrl.u32 v35, $0x3;
	s29 =	sadd.s32 $0x7, s28;
	s28 =	sadd.s32 $0x8, s28;
	v28 =	vadd.s32 $0x20, v36;
	v29 =	vadd.s32 $0x20, v37;
	[tilespmem:v34+s18+$0x0] =	vst.idx.msk $0xffff, v33  }
0xde: {  	v25 =	vadd.s32 $0x20, v25;
	v30 =	vadd.s32 $0x20, v30;
	v31 =	vmov s29  }
0xdf: {  	v26 =	vadd.s32 $0x20, v26;
	v27 =	vadd.s32 $0x20, v27;
	v28 =	vshrl.u32 v28, $0x3  }
0xe0: {  	v29 =	vshrl.u32 v29, $0x3;
	v18 =	vshll.u32 v18, v8;
	v31 =	vadd.s32 $0x20, v31  }
0xe1: {  	v25 =	vshrl.u32 v25, $0x3;
	v30 =	vshrl.u32 v30, $0x3;
	v28 =	vshll.u32 v28, v8  }
0xe2: {  	v26 =	vshrl.u32 v26, $0x3;
	v29 =	vshll.u32 v29, v8;
	v18 =	vbroadcast v18, $0x0  }
0xe3: {  	s1 =	sadd.s32 $0xD00, s26;
	v27 =	vshrl.u32 v27, $0x3;
	v31 =	vshrl.u32 v31, $0x3;
	v28 =	vbroadcast v28, $0x0  }
0xe4: {  	v63 =	vld [tilespmem:s1+$0xFFFFF980];
	v29 =	vbroadcast v29, $0x0;
	v25 =	vshll.u32 v25, v8;
	v10 =	vadd.s32 v10, v18  }
0xe5: {  	v53 =	vld [tilespmem:s1+$0xFFFFFB20];
	v30 =	vshll.u32 v30, v8;
	v25 =	vbroadcast v25, $0x0;
	v16 =	vadd.s32 v16, v28  }
0xe6: {  	[tilespmem:v19+s18+$0x0] =	vst.idx.msk $0xffff, v20;
	v54 =	vld [tilespmem:s1+$0xFFFFFCC0];
	v26 =	vshll.u32 v26, v8;
	v55 =	vbroadcast v30, $0x0;
	v15 =	vadd.s32 v15, v29  }
0xe7: {  	[tilespmem:v22+s18+$0x0] =	vst.idx.msk $0xffff, v21;
	v56 =	vld [tilespmem:s1+$0xFFFFFE60];
	v58 =	vshll.u32 v27, v8;
	v57 =	vbroadcast v26, $0x0;
	v14 =	vadd.s32 v14, v25  }
0xe8: {  	v59 =	vld [tilespmem:s1+$0x0];
	[tilespmem:v23+s18+$0x0] =	vst.idx.msk $0xffff, v24;
	v31 =	vshll.u32 v31, v8;
	v60 =	vbroadcast v58, $0x0;
	v13 =	vadd.s32 v13, v55  }
0xe9: {  	v61 =	vld [tilespmem:s1+$0x1A0];
	v31 =	vbroadcast v31, $0x0;
	v12 =	vadd.s32 v12, v57;
	[tilespmem:v10+s18+$0x0] =	vst.idx.msk $0xffff, v63  }
0xea: {  	s25 =	sadd.s32 $0x1, s25;
	v62 =	vld [tilespmem:s1+$0x340];
	v11 =	vadd.s32 v11, v60;
	[tilespmem:v16+s18+$0x0] =	vst.idx.msk $0xffff, v53  }
0xeb: {  	v52 =	vld [tilespmem:s1+$0x4E0];
	p0 =	sne.s32 s25, $0x1A;
	v17 =	vadd.s32 v17, v31;
	[tilespmem:v15+s18+$0x0] =	vst.idx.msk $0xffff, v54  }
.Ltmp7:
0xec: {  	[tilespmem:v14+s18+$0x0] =	vst.idx.msk $0xffff, v56;
	(pc) =	sbr.rel @p0 .LBB2_14-.Ltmp7, $4  }
0xed: {  	[tilespmem:v13+s18+$0x0] =	vst.idx.msk $0xffff, v59  }
0xee: {  	[tilespmem:v12+s18+$0x0] =	vst.idx.msk $0xffff, v61  }
0xef: {  	[tilespmem:v11+s18+$0x0] =	vst.idx.msk $0xffff, v62  }
0xf0: {  	v9 =	vadd.s32 $0x1, v9;
	s24 =	sadd.s32 $0x10, s24;
	[tilespmem:v17+s18+$0x0] =	vst.idx.msk $0xffff, v52  }
0xf1: {  	_ =	swait.ge [sflag:s20], $0x3400  }
0xf2: {  	s23 =	simm.s32 $0x0;
	[sflag:s20] =	ssyncset.done $0x0  }
0xf3: {  	v9 =	vimm.s32 $0x0;
	s24 =	simm.s32 $0x8880;
	s25 =	simm.s32 $0x0;
	[sflag:s20] =	ssyncadd.s32 $0xFFFFCC00  }
.LBB2_18:
0xf4: {  	v17 =	vmul.u32 $0x880, v9;
	v18 =	vmov s23;
	s1 =	simm.s32 $0x1;
	s26 =	simm.s32 $0x2  }
0xf5: {  	s28 =	simm.s32 $0x3;
	s30 =	simm.s32 $0x4;
	s31 =	simm.s32 $0x5;
	v18 =	vadd.s32 $0x40, v18;
	v19 =	vmov s1;
	v20 =	vmov s26  }
0xf6: {  	v21 =	vmov s28;
	v22 =	vmov s30;
	v23 =	vmov s31  }
0xf7: {  	v10 =	vadd.s32 v0, v17;
	v16 =	vadd.s32 v1, v17;
	v15 =	vadd.s32 v2, v17  }
0xf8: {  	s28 =	simm.s32 $0x6;
	v14 =	vadd.s32 v3, v17;
	v13 =	vadd.s32 v4, v17;
	v12 =	vadd.s32 v5, v17  }
0xf9: {  	v11 =	vadd.s32 v6, v17;
	v17 =	vadd.s32 v7, v17;
	v24 =	vmov s28  }
0xfa: {  	s30 =	simm.s32 $0x7;
	v18 =	vshrl.u32 v18, $0x3;
	v19 =	vadd.s32 $0x40, v19;
	v20 =	vadd.s32 $0x40, v20  }
0xfb: {  	v21 =	vadd.s32 $0x40, v21;
	v22 =	vadd.s32 $0x40, v22;
	v25 =	vmov s30  }
0xfc: {  	v23 =	vadd.s32 $0x40, v23;
	v24 =	vadd.s32 $0x40, v24;
	v25 =	vadd.s32 $0x40, v25  }
0xfd: {  	v19 =	vshrl.u32 v19, $0x3;
	v20 =	vshrl.u32 v20, $0x3;
	v21 =	vshrl.u32 v21, $0x3  }
0xfe: {  	v22 =	vshrl.u32 v22, $0x3;
	v23 =	vshrl.u32 v23, $0x3;
	v19 =	vshll.u32 v19, v8  }
0xff: {  	v25 =	vshrl.u32 v25, $0x3;
	v20 =	vshll.u32 v20, v8;
	v19 =	vbroadcast v19, $0x0  }
0x100: {  	v24 =	vshrl.u32 v24, $0x3;
	v25 =	vshll.u32 v25, v8;
	v20 =	vbroadcast v20, $0x0  }
0x101: {  	v27 =	vld [tilespmem:s24+$0xFFFFFB20];
	v21 =	vshll.u32 v21, v8;
	v25 =	vbroadcast v25, $0x0;
	v28 =	vadd.s32 v16, v19  }
0x102: {  	v29 =	vld [tilespmem:s24+$0xFFFFFCC0];
	v19 =	vbroadcast v21, $0x0;
	v21 =	vshll.u32 v22, v8;
	v30 =	vadd.s32 v15, v20  }
0x103: {  	v26 =	vld [tilespmem:s24+$0x4E0];
	v25 =	vadd.s32 v17, v25;
	v20 =	vbroadcast v21, $0x0;
	v21 =	vshll.u32 v23, v8  }
0x104: {  	v31 =	vld [tilespmem:s24+$0xFFFFFE60];
	v32 =	vadd.s32 v14, v19;
	v19 =	vbroadcast v21, $0x0;
	v21 =	vshll.u32 v24, v8  }
0x105: {  	v33 =	vld [tilespmem:s24+$0x0];
	s31 =	simm.s32 $0x8;
	v18 =	vshll.u32 v18, v8;
	v34 =	vadd.s32 v13, v20;
	v21 =	vbroadcast v21, $0x0  }
0x106: {  	s26 =	simm.s32 $0x9;
	v18 =	vbroadcast v18, $0x0;
	v22 =	vmov s31;
	v20 =	vld [tilespmem:s24+$0x1A0];
	v19 =	vadd.s32 v12, v19;
	[tilespmem:v28+s18+$0x0] =	vst.idx.msk $0xffff, v27  }
0x107: {  	v36 =	vmov s26;
	s30 =	simm.s32 $0xA;
	v35 =	vadd.s32 $0x40, v22;
	v22 =	vadd.s32 v11, v21;
	v21 =	vld [tilespmem:s24+$0x340];
	[tilespmem:v30+s18+$0x0] =	vst.idx.msk $0xffff, v29  }
0x108: {  	s28 =	simm.s32 $0xE;
	v37 =	vmov s30;
	s30 =	simm.s32 $0xC;
	s31 =	simm.s32 $0xB;
	v23 =	vadd.s32 v10, v18;
	v24 =	vld [tilespmem:s24+$0xFFFFF980];
	v18 =	vshrl.u32 v35, $0x3;
	[tilespmem:v25+s18+$0x0] =	vst.idx.msk $0xffff, v26  }
0x109: {  	v30 =	vmov s30;
	v27 =	vmov s28;
	v25 =	vmov s31;
	s31 =	simm.s32 $0xD;
	[tilespmem:v32+s18+$0x0] =	vst.idx.msk $0xffff, v31  }
0x10a: {  	s29 =	simm.s32 $0xF;
	s26 =	smov.u32 s24;
	v28 =	vadd.s32 $0x40, v36;
	v29 =	vadd.s32 $0x40, v37;
	s28 =	simm.s32 $0x10;
	v26 =	vmov s31;
	[tilespmem:v34+s18+$0x0] =	vst.idx.msk $0xffff, v33  }
.LBB2_19:
0x10b: {  	p0 =	slt.u32 s28, $0x18;
	v25 =	vadd.s32 $0x40, v25;
	v30 =	vadd.s32 $0x40, v30;
	v31 =	vmov s29;
	[tilespmem:v19+s18+$0x0] =	vst.idx.msk $0xffff, v20  }
0x10c: {  	v19 =	vadd.s32 $0x40, v26;
	v20 =	vadd.s32 $0x40, v27;
	v26 =	vadd.s32 $0x40, v31;
	[tilespmem:v22+s18+$0x0] =	vst.idx.msk $0xffff, v21  }
0x10d: {  	v21 =	vshrl.u32 v28, $0x3;
	v22 =	vshrl.u32 v29, $0x3;
	v26 =	vshrl.u32 v26, $0x3;
	[tilespmem:v23+s18+$0x0] =	vst.idx.msk $0xffff, v24  }
0x10e: {  	v23 =	vshrl.u32 v25, $0x3;
	v24 =	vshrl.u32 v30, $0x3;
	v25 =	vshll.u32 v26, v8  }
0x10f: {  	v19 =	vshrl.u32 v19, $0x3;
	v21 =	vshll.u32 v21, v8;
	v25 =	vbroadcast v25, $0x0  }
0x110: {  	s26 =	sadd.s32 $0xD00, s26;
	v20 =	vshrl.u32 v20, $0x3;
	v22 =	vshll.u32 v22, v8;
	v21 =	vbroadcast v21, $0x0  }
0x111: {  	v22 =	vbroadcast v22, $0x0;
	v23 =	vshll.u32 v23, v8;
	v26 =	vld [tilespmem:s26+$0x4E0];
	v25 =	vadd.s32 v17, v25  }
0x112: {  	v24 =	vshll.u32 v24, v8;
	v23 =	vbroadcast v23, $0x0;
	v21 =	vadd.s32 v16, v21;
	v27 =	vld [tilespmem:s26+$0xFFFFFB20]  }
0x113: {  	v19 =	vshll.u32 v19, v8;
	v29 =	vadd.s32 v15, v22;
	v22 =	vbroadcast v24, $0x0;
	v28 =	vld [tilespmem:s26+$0xFFFFFCC0]  }
0x114: {  	v20 =	vshll.u32 v20, v8;
	v19 =	vbroadcast v19, $0x0;
	v32 =	vadd.s32 v14, v23;
	v31 =	vld [tilespmem:s26+$0xFFFFFE60]  }
0x115: {  	v18 =	vshll.u32 v18, v8;
	v34 =	vadd.s32 v13, v22;
	v22 =	vbroadcast v20, $0x0;
	v33 =	vld [tilespmem:s26+$0x0]  }
.Ltmp8:
0x116: {  	s1 =	sadd.s32 $0x1, s28;
	v18 =	vbroadcast v18, $0x0;
	v19 =	vadd.s32 v12, v19;
	v23 =	vmov s28;
	v20 =	vld [tilespmem:s26+$0x1A0];
	[tilespmem:v25+s18+$0x0] =	vst.idx.msk $0xffff, v26;
	(pc) =	sbr.rel @p0 .LBB2_19-.Ltmp8, $4  }
0x117: {  	s29 =	sadd.s32 $0x3, s28;
	v36 =	vmov s1;
	s1 =	sadd.s32 $0x2, s28;
	v35 =	vadd.s32 $0x40, v23;
	v22 =	vadd.s32 v11, v22;
	[tilespmem:v21+s18+$0x0] =	vst.idx.msk $0xffff, v27;
	v21 =	vld [tilespmem:s26+$0x340]  }
0x118: {  	s30 =	sadd.s32 $0x6, s28;
	v37 =	vmov s1;
	s1 =	sadd.s32 $0x4, s28;
	v23 =	vadd.s32 v10, v18;
	v25 =	vmov s29;
	s29 =	sadd.s32 $0x5, s28;
	v24 =	vld [tilespmem:s26+$0xFFFFF980];
	[tilespmem:v29+s18+$0x0] =	vst.idx.msk $0xffff, v28  }
0x119: {  	v30 =	vmov s1;
	v26 =	vmov s29;
	v27 =	vmov s30;
	[tilespmem:v32+s18+$0x0] =	vst.idx.msk $0xffff, v31  }
0x11a: {  	v18 =	vshrl.u32 v35, $0x3;
	s29 =	sadd.s32 $0x7, s28;
	s28 =	sadd.s32 $0x8, s28;
	v28 =	vadd.s32 $0x40, v36;
	v29 =	vadd.s32 $0x40, v37;
	[tilespmem:v34+s18+$0x0] =	vst.idx.msk $0xffff, v33  }
0x11b: {  	v25 =	vadd.s32 $0x40, v25;
	v30 =	vadd.s32 $0x40, v30;
	v31 =	vmov s29  }
0x11c: {  	v26 =	vadd.s32 $0x40, v26;
	v27 =	vadd.s32 $0x40, v27;
	v28 =	vshrl.u32 v28, $0x3  }
0x11d: {  	v29 =	vshrl.u32 v29, $0x3;
	v18 =	vshll.u32 v18, v8;
	v31 =	vadd.s32 $0x40, v31  }
0x11e: {  	v25 =	vshrl.u32 v25, $0x3;
	v30 =	vshrl.u32 v30, $0x3;
	v28 =	vshll.u32 v28, v8  }
0x11f: {  	v26 =	vshrl.u32 v26, $0x3;
	v29 =	vshll.u32 v29, v8;
	v18 =	vbroadcast v18, $0x0  }
0x120: {  	s1 =	sadd.s32 $0xD00, s26;
	v27 =	vshrl.u32 v27, $0x3;
	v31 =	vshrl.u32 v31, $0x3;
	v28 =	vbroadcast v28, $0x0  }
0x121: {  	v63 =	vld [tilespmem:s1+$0xFFFFF980];
	v29 =	vbroadcast v29, $0x0;
	v25 =	vshll.u32 v25, v8;
	v10 =	vadd.s32 v10, v18  }
0x122: {  	v53 =	vld [tilespmem:s1+$0xFFFFFB20];
	v30 =	vshll.u32 v30, v8;
	v25 =	vbroadcast v25, $0x0;
	v16 =	vadd.s32 v16, v28  }
0x123: {  	[tilespmem:v19+s18+$0x0] =	vst.idx.msk $0xffff, v20;
	v54 =	vld [tilespmem:s1+$0xFFFFFCC0];
	v26 =	vshll.u32 v26, v8;
	v55 =	vbroadcast v30, $0x0;
	v15 =	vadd.s32 v15, v29  }
0x124: {  	[tilespmem:v22+s18+$0x0] =	vst.idx.msk $0xffff, v21;
	v56 =	vld [tilespmem:s1+$0xFFFFFE60];
	v58 =	vshll.u32 v27, v8;
	v57 =	vbroadcast v26, $0x0;
	v14 =	vadd.s32 v14, v25  }
0x125: {  	v59 =	vld [tilespmem:s1+$0x0];
	[tilespmem:v23+s18+$0x0] =	vst.idx.msk $0xffff, v24;
	v31 =	vshll.u32 v31, v8;
	v60 =	vbroadcast v58, $0x0;
	v13 =	vadd.s32 v13, v55  }
0x126: {  	v61 =	vld [tilespmem:s1+$0x1A0];
	v31 =	vbroadcast v31, $0x0;
	v12 =	vadd.s32 v12, v57;
	[tilespmem:v10+s18+$0x0] =	vst.idx.msk $0xffff, v63  }
0x127: {  	s25 =	sadd.s32 $0x1, s25;
	v62 =	vld [tilespmem:s1+$0x340];
	v11 =	vadd.s32 v11, v60;
	[tilespmem:v16+s18+$0x0] =	vst.idx.msk $0xffff, v53  }
0x128: {  	v52 =	vld [tilespmem:s1+$0x4E0];
	p0 =	sne.s32 s25, $0x1A;
	v17 =	vadd.s32 v17, v31;
	[tilespmem:v15+s18+$0x0] =	vst.idx.msk $0xffff, v54  }
.Ltmp9:
0x129: {  	[tilespmem:v14+s18+$0x0] =	vst.idx.msk $0xffff, v56;
	(pc) =	sbr.rel @p0 .LBB2_18-.Ltmp9, $4  }
0x12a: {  	[tilespmem:v13+s18+$0x0] =	vst.idx.msk $0xffff, v59  }
0x12b: {  	[tilespmem:v12+s18+$0x0] =	vst.idx.msk $0xffff, v61  }
0x12c: {  	[tilespmem:v11+s18+$0x0] =	vst.idx.msk $0xffff, v62  }
0x12d: {  	v9 =	vadd.s32 $0x1, v9;
	s24 =	sadd.s32 $0x10, s24;
	[tilespmem:v17+s18+$0x0] =	vst.idx.msk $0xffff, v52  }
0x12e: {  	_ =	swait.ge [sflag:s21], $0x3400  }
0x12f: {  	s23 =	simm.s32 $0x0;
	[sflag:s21] =	ssyncset.done $0x0  }
0x130: {  	v9 =	vimm.s32 $0x0;
	s24 =	simm.s32 $0xBC80;
	s25 =	simm.s32 $0x0;
	[sflag:s21] =	ssyncadd.s32 $0xFFFFCC00  }
.LBB2_22:
0x131: {  	v17 =	vmul.u32 $0x880, v9;
	v18 =	vmov s23;
	s1 =	simm.s32 $0x1;
	s26 =	simm.s32 $0x2  }
0x132: {  	s28 =	simm.s32 $0x3;
	s30 =	simm.s32 $0x4;
	s31 =	simm.s32 $0x5;
	v18 =	vadd.s32 $0x60, v18;
	v19 =	vmov s1;
	v20 =	vmov s26  }
0x133: {  	v21 =	vmov s28;
	v22 =	vmov s30;
	v23 =	vmov s31  }
0x134: {  	v10 =	vadd.s32 v0, v17;
	v16 =	vadd.s32 v1, v17;
	v15 =	vadd.s32 v2, v17  }
0x135: {  	s28 =	simm.s32 $0x6;
	v14 =	vadd.s32 v3, v17;
	v13 =	vadd.s32 v4, v17;
	v12 =	vadd.s32 v5, v17  }
0x136: {  	v11 =	vadd.s32 v6, v17;
	v17 =	vadd.s32 v7, v17;
	v24 =	vmov s28  }
0x137: {  	s30 =	simm.s32 $0x7;
	v18 =	vshrl.u32 v18, $0x3;
	v19 =	vadd.s32 $0x60, v19;
	v20 =	vadd.s32 $0x60, v20  }
0x138: {  	v21 =	vadd.s32 $0x60, v21;
	v22 =	vadd.s32 $0x60, v22;
	v25 =	vmov s30  }
0x139: {  	v23 =	vadd.s32 $0x60, v23;
	v24 =	vadd.s32 $0x60, v24;
	v25 =	vadd.s32 $0x60, v25  }
0x13a: {  	v19 =	vshrl.u32 v19, $0x3;
	v20 =	vshrl.u32 v20, $0x3;
	v21 =	vshrl.u32 v21, $0x3  }
0x13b: {  	v22 =	vshrl.u32 v22, $0x3;
	v23 =	vshrl.u32 v23, $0x3;
	v19 =	vshll.u32 v19, v8  }
0x13c: {  	v25 =	vshrl.u32 v25, $0x3;
	v20 =	vshll.u32 v20, v8;
	v19 =	vbroadcast v19, $0x0  }
0x13d: {  	v24 =	vshrl.u32 v24, $0x3;
	v25 =	vshll.u32 v25, v8;
	v20 =	vbroadcast v20, $0x0  }
0x13e: {  	v27 =	vld [tilespmem:s24+$0xFFFFFB20];
	v21 =	vshll.u32 v21, v8;
	v25 =	vbroadcast v25, $0x0;
	v28 =	vadd.s32 v16, v19  }
0x13f: {  	v29 =	vld [tilespmem:s24+$0xFFFFFCC0];
	v19 =	vbroadcast v21, $0x0;
	v21 =	vshll.u32 v22, v8;
	v30 =	vadd.s32 v15, v20  }
0x140: {  	v26 =	vld [tilespmem:s24+$0x4E0];
	v25 =	vadd.s32 v17, v25;
	v20 =	vbroadcast v21, $0x0;
	v21 =	vshll.u32 v23, v8  }
0x141: {  	v31 =	vld [tilespmem:s24+$0xFFFFFE60];
	v32 =	vadd.s32 v14, v19;
	v19 =	vbroadcast v21, $0x0;
	v21 =	vshll.u32 v24, v8  }
0x142: {  	v33 =	vld [tilespmem:s24+$0x0];
	s31 =	simm.s32 $0x8;
	v18 =	vshll.u32 v18, v8;
	v34 =	vadd.s32 v13, v20;
	v21 =	vbroadcast v21, $0x0  }
0x143: {  	s26 =	simm.s32 $0x9;
	v18 =	vbroadcast v18, $0x0;
	v22 =	vmov s31;
	v20 =	vld [tilespmem:s24+$0x1A0];
	v19 =	vadd.s32 v12, v19;
	[tilespmem:v28+s18+$0x0] =	vst.idx.msk $0xffff, v27  }
0x144: {  	v36 =	vmov s26;
	s30 =	simm.s32 $0xA;
	v35 =	vadd.s32 $0x60, v22;
	v22 =	vadd.s32 v11, v21;
	v21 =	vld [tilespmem:s24+$0x340];
	[tilespmem:v30+s18+$0x0] =	vst.idx.msk $0xffff, v29  }
0x145: {  	s28 =	simm.s32 $0xE;
	v37 =	vmov s30;
	s30 =	simm.s32 $0xC;
	s31 =	simm.s32 $0xB;
	v23 =	vadd.s32 v10, v18;
	v24 =	vld [tilespmem:s24+$0xFFFFF980];
	v18 =	vshrl.u32 v35, $0x3;
	[tilespmem:v25+s18+$0x0] =	vst.idx.msk $0xffff, v26  }
0x146: {  	v30 =	vmov s30;
	v27 =	vmov s28;
	v25 =	vmov s31;
	s31 =	simm.s32 $0xD;
	[tilespmem:v32+s18+$0x0] =	vst.idx.msk $0xffff, v31  }
0x147: {  	s29 =	simm.s32 $0xF;
	s26 =	smov.u32 s24;
	v28 =	vadd.s32 $0x60, v36;
	v29 =	vadd.s32 $0x60, v37;
	s28 =	simm.s32 $0x10;
	v26 =	vmov s31;
	[tilespmem:v34+s18+$0x0] =	vst.idx.msk $0xffff, v33  }
.LBB2_23:
0x148: {  	p0 =	slt.u32 s28, $0x18;
	v25 =	vadd.s32 $0x60, v25;
	v30 =	vadd.s32 $0x60, v30;
	v31 =	vmov s29;
	[tilespmem:v19+s18+$0x0] =	vst.idx.msk $0xffff, v20  }
0x149: {  	v19 =	vadd.s32 $0x60, v26;
	v20 =	vadd.s32 $0x60, v27;
	v26 =	vadd.s32 $0x60, v31;
	[tilespmem:v22+s18+$0x0] =	vst.idx.msk $0xffff, v21  }
0x14a: {  	v21 =	vshrl.u32 v28, $0x3;
	v22 =	vshrl.u32 v29, $0x3;
	v26 =	vshrl.u32 v26, $0x3;
	[tilespmem:v23+s18+$0x0] =	vst.idx.msk $0xffff, v24  }
0x14b: {  	v23 =	vshrl.u32 v25, $0x3;
	v24 =	vshrl.u32 v30, $0x3;
	v25 =	vshll.u32 v26, v8  }
0x14c: {  	v19 =	vshrl.u32 v19, $0x3;
	v21 =	vshll.u32 v21, v8;
	v25 =	vbroadcast v25, $0x0  }
0x14d: {  	s26 =	sadd.s32 $0xD00, s26;
	v20 =	vshrl.u32 v20, $0x3;
	v22 =	vshll.u32 v22, v8;
	v21 =	vbroadcast v21, $0x0  }
0x14e: {  	v22 =	vbroadcast v22, $0x0;
	v23 =	vshll.u32 v23, v8;
	v26 =	vld [tilespmem:s26+$0x4E0];
	v25 =	vadd.s32 v17, v25  }
0x14f: {  	v24 =	vshll.u32 v24, v8;
	v23 =	vbroadcast v23, $0x0;
	v21 =	vadd.s32 v16, v21;
	v27 =	vld [tilespmem:s26+$0xFFFFFB20]  }
0x150: {  	v19 =	vshll.u32 v19, v8;
	v29 =	vadd.s32 v15, v22;
	v22 =	vbroadcast v24, $0x0;
	v28 =	vld [tilespmem:s26+$0xFFFFFCC0]  }
0x151: {  	v20 =	vshll.u32 v20, v8;
	v19 =	vbroadcast v19, $0x0;
	v32 =	vadd.s32 v14, v23;
	v31 =	vld [tilespmem:s26+$0xFFFFFE60]  }
0x152: {  	v18 =	vshll.u32 v18, v8;
	v34 =	vadd.s32 v13, v22;
	v22 =	vbroadcast v20, $0x0;
	v33 =	vld [tilespmem:s26+$0x0]  }
.Ltmp10:
0x153: {  	s1 =	sadd.s32 $0x1, s28;
	v18 =	vbroadcast v18, $0x0;
	v19 =	vadd.s32 v12, v19;
	v23 =	vmov s28;
	v20 =	vld [tilespmem:s26+$0x1A0];
	[tilespmem:v25+s18+$0x0] =	vst.idx.msk $0xffff, v26;
	(pc) =	sbr.rel @p0 .LBB2_23-.Ltmp10, $4  }
0x154: {  	s29 =	sadd.s32 $0x3, s28;
	v36 =	vmov s1;
	s1 =	sadd.s32 $0x2, s28;
	v35 =	vadd.s32 $0x60, v23;
	v22 =	vadd.s32 v11, v22;
	[tilespmem:v21+s18+$0x0] =	vst.idx.msk $0xffff, v27;
	v21 =	vld [tilespmem:s26+$0x340]  }
0x155: {  	s30 =	sadd.s32 $0x6, s28;
	v37 =	vmov s1;
	s1 =	sadd.s32 $0x4, s28;
	v23 =	vadd.s32 v10, v18;
	v25 =	vmov s29;
	s29 =	sadd.s32 $0x5, s28;
	v24 =	vld [tilespmem:s26+$0xFFFFF980];
	[tilespmem:v29+s18+$0x0] =	vst.idx.msk $0xffff, v28  }
0x156: {  	v30 =	vmov s1;
	v26 =	vmov s29;
	v27 =	vmov s30;
	[tilespmem:v32+s18+$0x0] =	vst.idx.msk $0xffff, v31  }
0x157: {  	v18 =	vshrl.u32 v35, $0x3;
	s29 =	sadd.s32 $0x7, s28;
	s28 =	sadd.s32 $0x8, s28;
	v28 =	vadd.s32 $0x60, v36;
	v29 =	vadd.s32 $0x60, v37;
	[tilespmem:v34+s18+$0x0] =	vst.idx.msk $0xffff, v33  }
0x158: {  	v25 =	vadd.s32 $0x60, v25;
	v30 =	vadd.s32 $0x60, v30;
	v31 =	vmov s29  }
0x159: {  	v26 =	vadd.s32 $0x60, v26;
	v27 =	vadd.s32 $0x60, v27;
	v28 =	vshrl.u32 v28, $0x3  }
0x15a: {  	v29 =	vshrl.u32 v29, $0x3;
	v18 =	vshll.u32 v18, v8;
	v31 =	vadd.s32 $0x60, v31  }
0x15b: {  	v25 =	vshrl.u32 v25, $0x3;
	v30 =	vshrl.u32 v30, $0x3;
	v28 =	vshll.u32 v28, v8  }
0x15c: {  	v26 =	vshrl.u32 v26, $0x3;
	v29 =	vshll.u32 v29, v8;
	v18 =	vbroadcast v18, $0x0  }
0x15d: {  	s1 =	sadd.s32 $0xD00, s26;
	v27 =	vshrl.u32 v27, $0x3;
	v31 =	vshrl.u32 v31, $0x3;
	v28 =	vbroadcast v28, $0x0  }
0x15e: {  	v63 =	vld [tilespmem:s1+$0xFFFFF980];
	v29 =	vbroadcast v29, $0x0;
	v25 =	vshll.u32 v25, v8;
	v10 =	vadd.s32 v10, v18  }
0x15f: {  	v53 =	vld [tilespmem:s1+$0xFFFFFB20];
	v30 =	vshll.u32 v30, v8;
	v25 =	vbroadcast v25, $0x0;
	v16 =	vadd.s32 v16, v28  }
0x160: {  	[tilespmem:v19+s18+$0x0] =	vst.idx.msk $0xffff, v20;
	v54 =	vld [tilespmem:s1+$0xFFFFFCC0];
	v26 =	vshll.u32 v26, v8;
	v55 =	vbroadcast v30, $0x0;
	v15 =	vadd.s32 v15, v29  }
0x161: {  	[tilespmem:v22+s18+$0x0] =	vst.idx.msk $0xffff, v21;
	v56 =	vld [tilespmem:s1+$0xFFFFFE60];
	v58 =	vshll.u32 v27, v8;
	v57 =	vbroadcast v26, $0x0;
	v14 =	vadd.s32 v14, v25  }
0x162: {  	v59 =	vld [tilespmem:s1+$0x0];
	[tilespmem:v23+s18+$0x0] =	vst.idx.msk $0xffff, v24;
	v31 =	vshll.u32 v31, v8;
	v60 =	vbroadcast v58, $0x0;
	v13 =	vadd.s32 v13, v55  }
0x163: {  	v61 =	vld [tilespmem:s1+$0x1A0];
	v31 =	vbroadcast v31, $0x0;
	v12 =	vadd.s32 v12, v57;
	[tilespmem:v10+s18+$0x0] =	vst.idx.msk $0xffff, v63  }
0x164: {  	s25 =	sadd.s32 $0x1, s25;
	v62 =	vld [tilespmem:s1+$0x340];
	v11 =	vadd.s32 v11, v60;
	[tilespmem:v16+s18+$0x0] =	vst.idx.msk $0xffff, v53  }
0x165: {  	v52 =	vld [tilespmem:s1+$0x4E0];
	p0 =	sne.s32 s25, $0x1A;
	v17 =	vadd.s32 v17, v31;
	[tilespmem:v15+s18+$0x0] =	vst.idx.msk $0xffff, v54  }
.Ltmp11:
0x166: {  	[tilespmem:v14+s18+$0x0] =	vst.idx.msk $0xffff, v56;
	(pc) =	sbr.rel @p0 .LBB2_22-.Ltmp11, $4  }
0x167: {  	[tilespmem:v13+s18+$0x0] =	vst.idx.msk $0xffff, v59  }
0x168: {  	[tilespmem:v12+s18+$0x0] =	vst.idx.msk $0xffff, v61  }
0x169: {  	[tilespmem:v11+s18+$0x0] =	vst.idx.msk $0xffff, v62  }
0x16a: {  	v9 =	vadd.s32 $0x1, v9;
	s24 =	sadd.s32 $0x10, s24;
	[tilespmem:v17+s18+$0x0] =	vst.idx.msk $0xffff, v52  }
0x16b: {  	s1 =	simm.s32 $0xEA00  }
0x16c: {  	[hbm4b:s5+s2] =	stream.linear.scatter [tilespmem:s1], [sflag:$0x5], $0x80, $0x38;
	[tilespmem:$0x1C700] =	vst v63  }
0x16d: {  	s25 =	simm.s32 $0xEA88;
	s23 =	sadd.s32 $0x10, s5  }
0x16e: {  	[hbm4b:s23+s2] =	stream.linear.scatter [tilespmem:s25], [sflag:$0x5], $0x80, $0x38;
	[tilespmem:$0x1C700] =	vst v63  }
0x16f: {  	s26 =	simm.s32 $0xEB10;
	s29 =	sadd.s32 $0x20, s5;
	s30 =	simm.s32 $0xEB98  }
0x170: {  	[hbm4b:s29+s2] =	stream.linear.scatter [tilespmem:s26], [sflag:$0x5], $0x80, $0x38;
	[tilespmem:$0x1C700] =	vst v63  }
0x171: {  	s31 =	sadd.s32 $0x30, s5;
	s24 =	simm.s32 $0xEC20;
	s28 =	sadd.s32 $0x70, s5  }
0x172: {  	[hbm4b:s31+s2] =	stream.linear.scatter [tilespmem:s30], [sflag:$0x5], $0x80, $0x38;
	[tilespmem:$0x1C700] =	vst v63  }
0x173: {  	s25 =	sadd.s32 $0x40, s5;
	s23 =	simm.s32 $0x440;
	s26 =	simm.s32 $0xECA8  }
0x174: {  	[hbm4b:s25+s2] =	stream.linear.scatter [tilespmem:s24], [sflag:$0x5], $0x80, $0x38;
	[tilespmem:$0x1C700] =	vst v63  }
0x175: {  	s29 =	sadd.s32 $0x50, s5;
	s30 =	simm.s32 $0xED30;
	s31 =	sadd.s32 $0x60, s5  }
0x176: {  	[hbm4b:s29+s2] =	stream.linear.scatter [tilespmem:s26], [sflag:$0x5], $0x80, $0x38;
	[tilespmem:$0x1C700] =	vst v63  }
0x177: {  	s25 =	simm.s32 $0x2200;
	s24 =	sadd.s32 $0x1000, s5;
	s26 =	simm.s32 $0xEDB8  }
0x178: {  	[hbm4b:s31+s2] =	stream.linear.scatter [tilespmem:s30], [sflag:$0x5], $0x80, $0x38;
	[tilespmem:$0x1C700] =	vst v63  }
.LBB2_26:
0x179: {  	[hbm4b:s28+s2] =	stream.linear.scatter [tilespmem:s26], [sflag:$0x5], $0x80, $0x38;
	[tilespmem:$0x1C700] =	vst v63  }
0x17a: {  	s1 =	smov.u32 s23;
	s23 =	smov.u32 s25  }
0x17b: {  	s29 =	sadd.s32 $0x1100, s25;
	s23 =	sshra.s32 s23, $0x2;
	s26 =	sadd.s32 $0xEA00, s1  }
0x17c: {  	[hbm4b:s24+s2] =	stream.linear.scatter [tilespmem:s26], [sflag:$0x5], $0x80, $0x38;
	[tilespmem:$0x1C700] =	vst v63  }
0x17d: {  	p0 =	sne.s32 s25, $0x36300;
	s25 =	sadd.s32 $0xEA88, s1;
	s26 =	sadd.s32 $0x10, s24  }
0x17e: {  	[hbm4b:s26+s2] =	stream.linear.scatter [tilespmem:s25], [sflag:$0x5], $0x80, $0x38;
	[tilespmem:$0x1C700] =	vst v63  }
0x17f: {  	s25 =	sadd.s32 $0xEB10, s1;
	s26 =	sadd.s32 $0x20, s24  }
0x180: {  	[hbm4b:s26+s2] =	stream.linear.scatter [tilespmem:s25], [sflag:$0x5], $0x80, $0x38;
	[tilespmem:$0x1C700] =	vst v63  }
0x181: {  	s25 =	sadd.s32 $0xEB98, s1;
	s26 =	sadd.s32 $0x30, s24  }
0x182: {  	[hbm4b:s26+s2] =	stream.linear.scatter [tilespmem:s25], [sflag:$0x5], $0x80, $0x38;
	[tilespmem:$0x1C700] =	vst v63  }
0x183: {  	s25 =	sadd.s32 $0xEC20, s1;
	s26 =	sadd.s32 $0x40, s24  }
0x184: {  	[hbm4b:s26+s2] =	stream.linear.scatter [tilespmem:s25], [sflag:$0x5], $0x80, $0x38;
	[tilespmem:$0x1C700] =	vst v63  }
.Ltmp12:
0x185: {  	s25 =	sadd.s32 $0xECA8, s1;
	s26 =	sadd.s32 $0x50, s24;
	(pc) =	sbr.rel @p0 .LBB2_26-.Ltmp12, $4  }
0x186: {  	[hbm4b:s26+s2] =	stream.linear.scatter [tilespmem:s25], [sflag:$0x5], $0x80, $0x38;
	[tilespmem:$0x1C700] =	vst v63  }
0x187: {  	s28 =	sadd.s32 $0x70, s24;
	s25 =	sadd.s32 $0xED30, s1;
	s26 =	sadd.s32 $0x60, s24  }
0x188: {  	[hbm4b:s26+s2] =	stream.linear.scatter [tilespmem:s25], [sflag:$0x5], $0x80, $0x38;
	[tilespmem:$0x1C700] =	vst v63  }
0x189: {  	s24 =	sadd.s32 $0x1000, s24;
	s26 =	sadd.s32 $0xEDB8, s1;
	s25 =	smov.u32 s29  }
0x18a: {  	[hbm4b:s28+s2] =	stream.linear.scatter [tilespmem:s26], [sflag:$0x5], $0x80, $0x38;
	[tilespmem:$0x1C700] =	vst v63  }
0x18b: {  	s1 =	sadd.s32 $0xEA00, s23  }
0x18c: {  	[hbm4b:s24+s2] =	stream.linear.scatter [tilespmem:s1], [sflag:$0x5], $0x80, $0x38;
	[tilespmem:$0x1C700] =	vst v63  }
0x18d: {  	s31 =	sadd.s32 $0xEA88, s23;
	s25 =	sadd.s32 $0x10, s24  }
0x18e: {  	[hbm4b:s25+s2] =	stream.linear.scatter [tilespmem:s31], [sflag:$0x5], $0x80, $0x38;
	[tilespmem:$0x1C700] =	vst v63  }
0x18f: {  	s26 =	sadd.s32 $0x20, s24;
	s25 =	sadd.s32 $0xEB10, s23  }
0x190: {  	[hbm4b:s26+s2] =	stream.linear.scatter [tilespmem:s25], [sflag:$0x5], $0x80, $0x38;
	[tilespmem:$0x1C700] =	vst v63  }
0x191: {  	s28 =	sadd.s32 $0xEB98, s23;
	s29 =	sadd.s32 $0x30, s24  }
0x192: {  	[hbm4b:s29+s2] =	stream.linear.scatter [tilespmem:s28], [sflag:$0x5], $0x80, $0x38;
	[tilespmem:$0x1C700] =	vst v63  }
0x193: {  	s30 =	sadd.s32 $0xEC20, s23;
	s31 =	sadd.s32 $0x40, s24  }
0x194: {  	[hbm4b:s31+s2] =	stream.linear.scatter [tilespmem:s30], [sflag:$0x5], $0x80, $0x38;
	[tilespmem:$0x1C700] =	vst v63  }
0x195: {  	s22 =	sadd.s32 $0x1, s22;
	s25 =	sadd.s32 $0xECA8, s23;
	s26 =	sadd.s32 $0x50, s24  }
0x196: {  	[hbm4b:s26+s2] =	stream.linear.scatter [tilespmem:s25], [sflag:$0x5], $0x80, $0x38;
	[tilespmem:$0x1C700] =	vst v63  }
0x197: {  	p0 =	sne.s32 s22, s6;
	s28 =	sadd.s32 $0xED30, s23;
	s29 =	sadd.s32 $0x60, s24  }
0x198: {  	[hbm4b:s29+s2] =	stream.linear.scatter [tilespmem:s28], [sflag:$0x5], $0x80, $0x38;
	[tilespmem:$0x1C700] =	vst v63  }
.Ltmp13:
0x199: {  	s30 =	sadd.s32 $0xEDB8, s23;
	s31 =	sadd.s32 $0x70, s24;
	(pc) =	sbr.rel @p0 .LBB2_1-.Ltmp13, $4  }
0x19a: {  	[hbm4b:s31+s2] =	stream.linear.scatter [tilespmem:s30], [sflag:$0x5], $0x80, $0x38;
	[tilespmem:$0x1C700] =	vst v63  }
0x19b: {  	_ =	swait.ge [sflag:s7], $0xD000  }
0x19c: {  	[sflag:s7] =	ssyncset.done $0x0  }
0x19d: {  	[sflag:s7] =	ssyncadd.s32 $0xFFFF3000  }
0x19e: {  	_ =	sfence.sel $0x180000  }
0x19f: {  	[bflag:$0x0] =	sbarrier.arrive $0xFFFF  }
0x1a0: {  	_ =	strace $0x90000047  }
0x1a1: {  	[bflag:$0x2] =	sbarrier.arrive $0xFFFF  }
0x1a2: {  	p0 =	sne.s32 s0, $0x0;
	s0 =	rddreg [dreg:$0x2]  }
0x1a3: {  	s0 =	sadd.s32 @!p0 $0x100000, s0  }
0x1a4: {  	[sflag:s0] =	ssyncadd.tile.s32 @!p0 $0x1;
	_ =	shalt  }
.Lfunc_end2:
_tile_overlayer_lowered:
.L_overlay_start_2:
0x1a5: {  	(tag) =	ssettag $0x2  }
0x1a6: {  	s0 =	rddreg [dreg:$0x0];
	s2 =	stileid.u32  }
0x1a7: {  	s1 =	rddreg [dreg:$0x1];
	p0 =	sne.s32 s2, $0x0  }
0x1a8: {  	s3 =	rddreg [dreg:$0x2];
	[bflag:$0x3] =	sbarrier.arrive $0xFFFF;
	s2 =	simm.s32 @!p0 $0x1C05  }
0x1a9: {  	[timem:s3], [sflag:s2] =	dma.local @!p0 [hbm:s0], s1  }
0x1aa: {  	s0 =	simm.s32 @!p0 $0x5  }
0x1ab: {  	_ =	swait.ge @!p0 [sflag:s0], s1  }
0x1ac: {  	s1 =	ssub.s32 @!p0 $0x0, s1;
	[sflag:s0] =	ssyncset.done @!p0 $0x0  }
0x1ad: {  	[sflag:s0] =	ssyncadd.s32 @!p0 s1  }
0x1ae: {  	[bflag:$0x3] =	sbarrier.arrive $0xFFFF  }
0x1af: {  	_ =	shalt  }

</sc_bundles>
